<compile_context>
chip_gen: v7x
topology: tpu7x:2x2x1
jax: 0.10.2.dev20260603
libtpu: 0.0.44.dev20260713+nightly
codegen_flags: <defaults>
</compile_context>

<pallas_src>
import functools

import jax
import jax.numpy as jnp
from jax import lax
from jax.experimental import pallas as pl
from jax.experimental.pallas import tpu as pltpu
from jax.experimental.pallas import tpu_sc as plsc

_NC = 2
_NS = 16
_NW = _NC * _NS
_CHUNK = 80
_LANES = 16


@functools.lru_cache(maxsize=None)
def _build(V, D, steps):
    mesh = plsc.VectorSubcoreMesh(
        core_axis_name="c", subcore_axis_name="s",
        num_cores=_NC, num_subcores=_NS)
    main = D - D % 128
    n_full = (D - main) // _LANES
    rem = D - main - n_full * _LANES

    @functools.partial(
        pl.kernel,
        out_type=jax.ShapeDtypeStruct(
            (_NW * steps * _CHUNK, D), jnp.float32),
        mesh=mesh,
        compiler_params=pltpu.CompilerParams(needs_layout_passes=False),
        scratch_types=[
            pltpu.VMEM((steps, _CHUNK), jnp.int32),
            pltpu.VMEM((2, _CHUNK, 128), jnp.float32),
            pltpu.VMEM((2, _CHUNK, D), jnp.float32),
            pltpu.SemaphoreType.DMA,
            pltpu.SemaphoreType.DMA,
            pltpu.SemaphoreType.DMA,
            pltpu.SemaphoreType.DMA,
            pltpu.SemaphoreType.DMA,
            pltpu.SemaphoreType.DMA,
        ],
    )
    def _emb(idx_hbm, tab_hbm, tab_tail, out_hbm, idx_v, tails, r300,
             gsem0, gsem1, tsem0, tsem1, osem0, osem1):
        wid = lax.axis_index("s") * _NC + lax.axis_index("c")
        gsems = (gsem0, gsem1)
        tsems = (tsem0, tsem1)
        osems = (osem0, osem1)
        tab_main = tab_hbm.at[:, pl.ds(0, main)]
        base = wid * (steps * _CHUNK)
        pltpu.sync_copy(idx_hbm.at[wid], idx_v)

        def start_gathers(g, b):
            pltpu.async_copy(
                tab_tail.at[idx_v.at[g]], tails.at[b], tsems[b])
            pltpu.async_copy(
                tab_main.at[idx_v.at[g]], r300.at[b, :, pl.ds(0, main)],
                gsems[b])

        def wait_tail(g, b):
            pltpu.make_async_copy(
                tab_tail.at[idx_v.at[g]], tails.at[b], tsems[b]).wait()

        def wait_main(g, b):
            pltpu.make_async_copy(
                tab_main.at[idx_v.at[g]], r300.at[b, :, pl.ds(0, main)],
                gsems[b]).wait()

        start_gathers(0, 0)

        def pair(g0, _):
            for b in range(2):
                g = g0 * 2 + b
                nxt = g + 1

                @pl.when(nxt < steps)
                def _():
                    @pl.when(nxt >= 2)
                    def _():
                        pltpu.make_async_copy(
                            r300.at[1 - b],
                            out_hbm.at[pl.ds(base + (g - 1) * _CHUNK,
                                             _CHUNK)],
                            osems[1 - b]).wait()

                    start_gathers(nxt, 1 - b)

                wait_tail(g, b)

                def tail(i, _):
                    for k in range(n_full):
                        r300[b, i, pl.ds(main + k * _LANES, _LANES)] = (
                            tails[b, i, pl.ds(k * _LANES, _LANES)])
                    if rem:
                        tail_base = main + n_full * _LANES
                        v = tails[b, i, pl.ds(n_full * _LANES, _LANES)]
                        plsc.store_scatter(
                            r300.at[b],
                            [jnp.full((_LANES,), i, jnp.int32),
                             tail_base + lax.iota(jnp.int32, _LANES)],
                            v, mask=lax.iota(jnp.int32, _LANES) < rem)
                    return ()

                lax.fori_loop(0, _CHUNK, tail, (), unroll=8)

                wait_main(g, b)
                pltpu.async_copy(
                    r300.at[b],
                    out_hbm.at[pl.ds(base + g * _CHUNK, _CHUNK)], osems[b])
            return ()

        lax.fori_loop(0, steps // 2, pair, (), unroll=False)
        for b in range(2):
            pltpu.make_async_copy(
                r300.at[b],
                out_hbm.at[pl.ds(base + (steps - 2 + b) * _CHUNK, _CHUNK)],
                osems[b]).wait()

    return _emb


def kernel(indices, table):
    Bb, Ll = indices.shape
    V, D = table.shape
    N = Bb * Ll
    assert N % (_NW * _CHUNK) == 0
    steps = N // (_NW * _CHUNK)
    main = D - D % 128
    tab_tail = jnp.pad(table[:, main:], ((0, 0), (0, 128 - (D - main))))
    idx = indices.reshape(_NW, steps, _CHUNK)
    out = _build(V, D, steps)(idx, table, tab_tail)
    embeddings = out.reshape(Bb, Ll, D)
    mask = jnp.ones((Bb, Ll), dtype=jnp.int32)
    return embeddings, mask

# --- scband reference (transcript-rebuilt; emitter-appended) ---
"""Pipeline reference for scband-look-up-64819646431877 (READ-ONLY COPY).

The authoritative reference and input builder live on the scoring server;
editing this copy changes nothing except your own understanding.
"""

import jax, jax.numpy as jnp
import numpy as np

VOCAB = 100000
DIM = 300
B = 4096
L = 200

def setup_inputs(seed: int = 0) -> dict:
    key = jax.random.key(seed)
    k1, k2 = jax.random.split(key)
    # token-id matrix (already vectorized / padded), values in [0, VOCAB)
    indices = jax.random.randint(k1, (B, L), 0, VOCAB, dtype=jnp.int32)
    # learned embedding table (nn.Embedding weight), GloVe-style small init
    table = jax.random.uniform(k2, (VOCAB, DIM), dtype=jnp.float32, minval=-0.05, maxval=0.05)
    return {"indices": indices, "table": table}

def reference(indices, table):
    # embedding lookup: nn.Embedding(vectorized) -> gather rows of the table
    embeddings = jnp.take(table, indices, axis=0)  # [B, L, DIM]
    # dropout p=0.0 is identity (eval semantics)
    # mask: the torch module returns a 0/1 mask of valid tokens; with fully
    # packed batches every position is valid
    mask = jnp.ones((B, L), dtype=jnp.int32)
    return embeddings, mask

if __name__ == "__main__":
    import jax
    _d = setup_inputs()
    print(jax.jit(kernel)(*tuple(_d.values())))

</pallas_src>

<mosaic_0001>
#map = affine_map<(d0, d1) -> (0, 0, 0)>
#map1 = affine_map<(d0, d1) -> (0, 0)>
module attributes {stable_mosaic.version = 14 : i64} {
  func.func @_emb(%arg0: i32, %arg1: i32, %arg2: memref<32x320x80xi32, #tpu.memory_space<hbm>>, %arg3: memref<100000x300xf32, #tpu.memory_space<hbm>>, %arg4: memref<100000x128xf32, #tpu.memory_space<hbm>>, %arg5: memref<819200x300xf32, #tpu.memory_space<hbm>>, %arg6: memref<320x80xi32, #tpu.memory_space<vmem>>, %arg7: memref<2x80x128xf32, #tpu.memory_space<vmem>>, %arg8: memref<2x80x300xf32, #tpu.memory_space<vmem>>, %arg9: memref<!tpu.dma_semaphore, #tpu.memory_space<semaphore_mem>>, %arg10: memref<!tpu.dma_semaphore, #tpu.memory_space<semaphore_mem>>, %arg11: memref<!tpu.dma_semaphore, #tpu.memory_space<semaphore_mem>>, %arg12: memref<!tpu.dma_semaphore, #tpu.memory_space<semaphore_mem>>, %arg13: memref<!tpu.dma_semaphore, #tpu.memory_space<semaphore_mem>>, %arg14: memref<!tpu.dma_semaphore, #tpu.memory_space<semaphore_mem>>) attributes {dimension_semantics = [#tpu.dimension_semantics<core_parallel>, #tpu.dimension_semantics<subcore_parallel>], iteration_bounds = array<i64: 2, 16>, scalar_prefetch = 0 : i64, scratch_operands = 9 : i64, tpu.core_type = #tpu.core_type<sc_vector_subcore>, window_params = [{transform_indices = #map}, {transform_indices = #map1}, {transform_indices = #map1}, {transform_indices = #map1}]} {
    %mul3A = arith.constant 2 : i32
    %mul3A_0 = arith.muli %arg1, %mul3A : i32
    %add3A = arith.addi %mul3A_0, %arg0 : i32
    %mul3A_1 = arith.constant 25600 : i32
    %mul3A_2 = arith.muli %add3A, %mul3A_1 : i32
    "tpu.region"() ({
      %run_scoped3A = tpu.sem_alloc : memref<!tpu.dma_semaphore, #tpu.memory_space<semaphore_mem>>
      %dma_start3A_62 = arith.constant 0 : i32
      %dma_start3A_63 = arith.constant 0 : i32
      %dma_start3A_64 = tpu.memref_slice %arg2[%add3A, %dma_start3A_62, %dma_start3A_63] : memref<32x320x80xi32, #tpu.memory_space<hbm>> -> memref<1x320x80xi32, #tpu.memory_space<hbm>>
      %dma_start3A_65 = tpu.memref_squeeze %dma_start3A_64 : memref<1x320x80xi32, #tpu.memory_space<hbm>> -> memref<320x80xi32, #tpu.memory_space<hbm>>
      %dma_start3A_66 = arith.constant 0 : i32
      %dma_start3A_67 = arith.constant 0 : i32
      %dma_start3A_68 = tpu.memref_slice %arg2[%add3A, %dma_start3A_66, %dma_start3A_67] : memref<32x320x80xi32, #tpu.memory_space<hbm>> -> memref<1x320x80xi32, #tpu.memory_space<hbm>>
      %dma_start3A_69 = tpu.memref_squeeze %dma_start3A_68 : memref<1x320x80xi32, #tpu.memory_space<hbm>> -> memref<320x80xi32, #tpu.memory_space<hbm>>
      tpu.enqueue_dma source(%dma_start3A_69 : memref<320x80xi32, #tpu.memory_space<hbm>>) target(%arg6 : memref<320x80xi32, #tpu.memory_space<vmem>>) target_semaphore(%run_scoped3A : memref<!tpu.dma_semaphore, #tpu.memory_space<semaphore_mem>>)
      %dma_wait3A_70 = arith.constant 0 : i32
      %dma_wait3A_71 = arith.constant 0 : i32
      %dma_wait3A_72 = tpu.memref_slice %arg2[%add3A, %dma_wait3A_70, %dma_wait3A_71] : memref<32x320x80xi32, #tpu.memory_space<hbm>> -> memref<1x320x80xi32, #tpu.memory_space<hbm>>
      %dma_wait3A_73 = tpu.memref_squeeze %dma_wait3A_72 : memref<1x320x80xi32, #tpu.memory_space<hbm>> -> memref<320x80xi32, #tpu.memory_space<hbm>>
      %dma_wait3A_74 = arith.constant 0 : i32
      %dma_wait3A_75 = arith.constant 0 : i32
      %dma_wait3A_76 = tpu.memref_slice %arg2[%add3A, %dma_wait3A_74, %dma_wait3A_75] : memref<32x320x80xi32, #tpu.memory_space<hbm>> -> memref<1x320x80xi32, #tpu.memory_space<hbm>>
      %dma_wait3A_77 = tpu.memref_squeeze %dma_wait3A_76 : memref<1x320x80xi32, #tpu.memory_space<hbm>> -> memref<320x80xi32, #tpu.memory_space<hbm>>
      tpu.wait_dma2 semaphore(%run_scoped3A : memref<!tpu.dma_semaphore, #tpu.memory_space<semaphore_mem>>) src(%dma_wait3A_77 : memref<320x80xi32, #tpu.memory_space<hbm>>) dst(%arg6 : memref<320x80xi32, #tpu.memory_space<vmem>>)
      tpu.yield
    }) : () -> ()
    %dma_start3A = arith.constant 0 : i32
    %dma_start3A_3 = arith.constant 0 : i32
    %dma_start3A_4 = arith.constant 0 : i32
    %dma_start3A_5 = arith.constant 0 : i32
    %dma_start3A_6 = tpu.memref_slice %arg7[%dma_start3A_3, %dma_start3A_4, %dma_start3A_5] : memref<2x80x128xf32, #tpu.memory_space<vmem>> -> memref<1x80x128xf32, #tpu.memory_space<vmem>>
    %dma_start3A_7 = tpu.memref_squeeze %dma_start3A_6 : memref<1x80x128xf32, #tpu.memory_space<vmem>> -> memref<80x128xf32, #tpu.memory_space<vmem>>
    %dma_start3A_8 = arith.constant 0 : i32
    %dma_start3A_9 = tpu.memref_slice %arg6[%dma_start3A, %dma_start3A_8] : memref<320x80xi32, #tpu.memory_space<vmem>> -> memref<1x80xi32, #tpu.memory_space<vmem>>
    %dma_start3A_10 = tpu.memref_squeeze %dma_start3A_9 : memref<1x80xi32, #tpu.memory_space<vmem>> -> memref<80xi32, #tpu.memory_space<vmem>>
    %dma_start3A_11 = arith.constant 0 : i32
    %dma_start3A_12 = arith.constant 0 : i32
    %dma_start3A_13 = tpu.memref_slice %arg4[%dma_start3A_11, %dma_start3A_12] : memref<100000x128xf32, #tpu.memory_space<hbm>> -> memref<100000x128xf32, #tpu.memory_space<hbm>>
    tpu.enqueue_indirect_dma source(%dma_start3A_13 : memref<100000x128xf32, #tpu.memory_space<hbm>>) target(%dma_start3A_7 : memref<80x128xf32, #tpu.memory_space<vmem>>) offsets(%dma_start3A_10 : memref<80xi32, #tpu.memory_space<vmem>>) semaphore(%arg11 : memref<!tpu.dma_semaphore, #tpu.memory_space<semaphore_mem>>)
    %dma_start3A_14 = arith.constant 0 : i32
    %dma_start3A_15 = arith.constant 0 : i32
    %dma_start3A_16 = arith.constant 0 : i32
    %dma_start3A_17 = arith.constant 0 : i32
    %dma_start3A_18 = tpu.memref_slice %arg8[%dma_start3A_15, %dma_start3A_16, %dma_start3A_17] : memref<2x80x300xf32, #tpu.memory_space<vmem>> -> memref<1x80x256xf32, #tpu.memory_space<vmem>>
    %dma_start3A_19 = tpu.memref_squeeze %dma_start3A_18 : memref<1x80x256xf32, #tpu.memory_space<vmem>> -> memref<80x256xf32, #tpu.memory_space<vmem>>
    %dma_start3A_20 = arith.constant 0 : i32
    %dma_start3A_21 = tpu.memref_slice %arg6[%dma_start3A_14, %dma_start3A_20] : memref<320x80xi32, #tpu.memory_space<vmem>> -> memref<1x80xi32, #tpu.memory_space<vmem>>
    %dma_start3A_22 = tpu.memref_squeeze %dma_start3A_21 : memref<1x80xi32, #tpu.memory_space<vmem>> -> memref<80xi32, #tpu.memory_space<vmem>>
    %dma_start3A_23 = arith.constant 0 : i32
    %dma_start3A_24 = arith.constant 0 : i32
    %dma_start3A_25 = tpu.memref_slice %arg3[%dma_start3A_23, %dma_start3A_24] : memref<100000x300xf32, #tpu.memory_space<hbm>> -> memref<100000x256xf32, #tpu.memory_space<hbm>>
    %dma_start3A_26 = arith.constant 0 : i32
    %dma_start3A_27 = arith.constant 0 : i32
    %dma_start3A_28 = tpu.memref_slice %dma_start3A_25[%dma_start3A_26, %dma_start3A_27] : memref<100000x256xf32, #tpu.memory_space<hbm>> -> memref<100000x256xf32, #tpu.memory_space<hbm>>
    tpu.enqueue_indirect_dma source(%dma_start3A_28 : memref<100000x256xf32, #tpu.memory_space<hbm>>) target(%dma_start3A_19 : memref<80x256xf32, #tpu.memory_space<vmem>>) offsets(%dma_start3A_22 : memref<80xi32, #tpu.memory_space<vmem>>) semaphore(%arg9 : memref<!tpu.dma_semaphore, #tpu.memory_space<semaphore_mem>>)
    %scan3A = arith.constant 0 : i32
    %scan3A_29 = arith.constant 160 : i32
    %scan3A_30 = arith.addi %scan3A, %scan3A_29 : i32
    %scan3A_31 = arith.constant 1 : i32
    scf.for %scan3A_62 = %scan3A to %scan3A_30 step %scan3A_31  : i32 {
      %mul3A_63 = arith.constant 2 : i32
      %mul3A_64 = arith.muli %scan3A_62, %mul3A_63 : i32
      %add3A_65 = arith.constant 0 : i32
      %add3A_66 = arith.addi %mul3A_64, %add3A_65 : i32
      %add3A_67 = arith.constant 1 : i32
      %add3A_68 = arith.addi %add3A_66, %add3A_67 : i32
      %lt3A = arith.constant 320 : i32
      %lt3A_69 = arith.cmpi slt, %add3A_68, %lt3A : i32
      %convert_element_type3A = arith.extui %lt3A_69 : i1 to i32
      %cond3A = arith.constant 0 : i32
      %cond3A_70 = arith.cmpi ne, %convert_element_type3A, %cond3A : i32
      scf.if %cond3A_70 {
        %ge3A = arith.constant 2 : i32
        %ge3A_174 = arith.cmpi sge, %add3A_68, %ge3A : i32
        %convert_element_type3A_175 = arith.extui %ge3A_174 : i1 to i32
        %cond3A_176 = arith.constant 0 : i32
        %cond3A_177 = arith.cmpi ne, %convert_element_type3A_175, %cond3A_176 : i32
        scf.if %cond3A_177 {
          %sub3A = arith.constant 1 : i32
          %sub3A_203 = arith.subi %add3A_66, %sub3A : i32
          %mul3A_204 = arith.constant 80 : i32
          %mul3A_205 = arith.muli %sub3A_203, %mul3A_204 : i32
          %add3A_206 = arith.addi %mul3A_2, %mul3A_205 : i32
          %dma_wait3A_207 = arith.constant 1 : i32
          %dma_wait3A_208 = arith.constant 0 : i32
          %dma_wait3A_209 = arith.constant 0 : i32
          %dma_wait3A_210 = tpu.memref_slice %arg8[%dma_wait3A_207, %dma_wait3A_208, %dma_wait3A_209] : memref<2x80x300xf32, #tpu.memory_space<vmem>> -> memref<1x80x300xf32, #tpu.memory_space<vmem>>
          %dma_wait3A_211 = tpu.memref_squeeze %dma_wait3A_210 : memref<1x80x300xf32, #tpu.memory_space<vmem>> -> memref<80x300xf32, #tpu.memory_space<vmem>>
          %dma_wait3A_212 = arith.constant 0 : i32
          %dma_wait3A_213 = tpu.memref_slice %arg5[%add3A_206, %dma_wait3A_212] : memref<819200x300xf32, #tpu.memory_space<hbm>> -> memref<80x300xf32, #tpu.memory_space<hbm>>
          %dma_wait3A_214 = arith.constant 0 : i32
          %dma_wait3A_215 = tpu.memref_slice %arg5[%add3A_206, %dma_wait3A_214] : memref<819200x300xf32, #tpu.memory_space<hbm>> -> memref<80x300xf32, #tpu.memory_space<hbm>>
          %dma_wait3A_216 = arith.constant 0 : i32
          %dma_wait3A_217 = arith.constant 0 : i32
          %dma_wait3A_218 = tpu.memref_slice %arg8[%dma_wait3A_207, %dma_wait3A_216, %dma_wait3A_217] : memref<2x80x300xf32, #tpu.memory_space<vmem>> -> memref<1x80x300xf32, #tpu.memory_space<vmem>>
          %dma_wait3A_219 = tpu.memref_squeeze %dma_wait3A_218 : memref<1x80x300xf32, #tpu.memory_space<vmem>> -> memref<80x300xf32, #tpu.memory_space<vmem>>
          tpu.wait_dma2 semaphore(%arg14 : memref<!tpu.dma_semaphore, #tpu.memory_space<semaphore_mem>>) src(%dma_wait3A_219 : memref<80x300xf32, #tpu.memory_space<vmem>>) dst(%dma_wait3A_215 : memref<80x300xf32, #tpu.memory_space<hbm>>)
        } else {
        }
        %dma_start3A_178 = arith.constant 1 : i32
        %dma_start3A_179 = arith.constant 0 : i32
        %dma_start3A_180 = arith.constant 0 : i32
        %dma_start3A_181 = tpu.memref_slice %arg7[%dma_start3A_178, %dma_start3A_179, %dma_start3A_180] : memref<2x80x128xf32, #tpu.memory_space<vmem>> -> memref<1x80x128xf32, #tpu.memory_space<vmem>>
        %dma_start3A_182 = tpu.memref_squeeze %dma_start3A_181 : memref<1x80x128xf32, #tpu.memory_space<vmem>> -> memref<80x128xf32, #tpu.memory_space<vmem>>
        %dma_start3A_183 = arith.constant 0 : i32
        %dma_start3A_184 = tpu.memref_slice %arg6[%add3A_68, %dma_start3A_183] : memref<320x80xi32, #tpu.memory_space<vmem>> -> memref<1x80xi32, #tpu.memory_space<vmem>>
        %dma_start3A_185 = tpu.memref_squeeze %dma_start3A_184 : memref<1x80xi32, #tpu.memory_space<vmem>> -> memref<80xi32, #tpu.memory_space<vmem>>
        %dma_start3A_186 = arith.constant 0 : i32
        %dma_start3A_187 = arith.constant 0 : i32
        %dma_start3A_188 = tpu.memref_slice %arg4[%dma_start3A_186, %dma_start3A_187] : memref<100000x128xf32, #tpu.memory_space<hbm>> -> memref<100000x128xf32, #tpu.memory_space<hbm>>
        tpu.enqueue_indirect_dma source(%dma_start3A_188 : memref<100000x128xf32, #tpu.memory_space<hbm>>) target(%dma_start3A_182 : memref<80x128xf32, #tpu.memory_space<vmem>>) offsets(%dma_start3A_185 : memref<80xi32, #tpu.memory_space<vmem>>) semaphore(%arg12 : memref<!tpu.dma_semaphore, #tpu.memory_space<semaphore_mem>>)
        %dma_start3A_189 = arith.constant 1 : i32
        %dma_start3A_190 = arith.constant 0 : i32
        %dma_start3A_191 = arith.constant 0 : i32
        %dma_start3A_192 = tpu.memref_slice %arg8[%dma_start3A_189, %dma_start3A_190, %dma_start3A_191] : memref<2x80x300xf32, #tpu.memory_space<vmem>> -> memref<1x80x256xf32, #tpu.memory_space<vmem>>
        %dma_start3A_193 = tpu.memref_squeeze %dma_start3A_192 : memref<1x80x256xf32, #tpu.memory_space<vmem>> -> memref<80x256xf32, #tpu.memory_space<vmem>>
        %dma_start3A_194 = arith.constant 0 : i32
        %dma_start3A_195 = tpu.memref_slice %arg6[%add3A_68, %dma_start3A_194] : memref<320x80xi32, #tpu.memory_space<vmem>> -> memref<1x80xi32, #tpu.memory_space<vmem>>
        %dma_start3A_196 = tpu.memref_squeeze %dma_start3A_195 : memref<1x80xi32, #tpu.memory_space<vmem>> -> memref<80xi32, #tpu.memory_space<vmem>>
        %dma_start3A_197 = arith.constant 0 : i32
        %dma_start3A_198 = arith.constant 0 : i32
        %dma_start3A_199 = tpu.memref_slice %arg3[%dma_start3A_197, %dma_start3A_198] : memref<100000x300xf32, #tpu.memory_space<hbm>> -> memref<100000x256xf32, #tpu.memory_space<hbm>>
        %dma_start3A_200 = arith.constant 0 : i32
        %dma_start3A_201 = arith.constant 0 : i32
        %dma_start3A_202 = tpu.memref_slice %dma_start3A_199[%dma_start3A_200, %dma_start3A_201] : memref<100000x256xf32, #tpu.memory_space<hbm>> -> memref<100000x256xf32, #tpu.memory_space<hbm>>
        tpu.enqueue_indirect_dma source(%dma_start3A_202 : memref<100000x256xf32, #tpu.memory_space<hbm>>) target(%dma_start3A_193 : memref<80x256xf32, #tpu.memory_space<vmem>>) offsets(%dma_start3A_196 : memref<80xi32, #tpu.memory_space<vmem>>) semaphore(%arg10 : memref<!tpu.dma_semaphore, #tpu.memory_space<semaphore_mem>>)
      } else {
      }
      %dma_wait3A_71 = arith.constant 0 : i32
      %dma_wait3A_72 = arith.constant 0 : i32
      %dma_wait3A_73 = arith.constant 0 : i32
      %dma_wait3A_74 = tpu.memref_slice %arg7[%dma_wait3A_71, %dma_wait3A_72, %dma_wait3A_73] : memref<2x80x128xf32, #tpu.memory_space<vmem>> -> memref<1x80x128xf32, #tpu.memory_space<vmem>>
      %dma_wait3A_75 = tpu.memref_squeeze %dma_wait3A_74 : memref<1x80x128xf32, #tpu.memory_space<vmem>> -> memref<80x128xf32, #tpu.memory_space<vmem>>
      %dma_wait3A_76 = arith.constant 0 : i32
      %dma_wait3A_77 = tpu.memref_slice %arg6[%add3A_66, %dma_wait3A_76] : memref<320x80xi32, #tpu.memory_space<vmem>> -> memref<1x80xi32, #tpu.memory_space<vmem>>
      %dma_wait3A_78 = tpu.memref_squeeze %dma_wait3A_77 : memref<1x80xi32, #tpu.memory_space<vmem>> -> memref<80xi32, #tpu.memory_space<vmem>>
      %dma_wait3A_79 = arith.constant 0 : i32
      %dma_wait3A_80 = arith.constant 0 : i32
      %dma_wait3A_81 = tpu.memref_slice %arg4[%dma_wait3A_79, %dma_wait3A_80] : memref<100000x128xf32, #tpu.memory_space<hbm>> -> memref<100000x128xf32, #tpu.memory_space<hbm>>
      tpu.wait_indirect_dma semaphore(%arg11 : memref<!tpu.dma_semaphore, #tpu.memory_space<semaphore_mem>>) src(%dma_wait3A_81 : memref<100000x128xf32, #tpu.memory_space<hbm>>) dst(%dma_wait3A_75 : memref<80x128xf32, #tpu.memory_space<vmem>>)
      %scan3A_82 = arith.constant 0 : i32
      %scan3A_83 = arith.constant 80 : i32
      %scan3A_84 = arith.addi %scan3A_82, %scan3A_83 : i32
      %scan3A_85 = arith.constant 8 : i32
      scf.for %scan3A_174 = %scan3A_82 to %scan3A_84 step %scan3A_85  : i32 {
        %get3A = arith.constant 0 : i32
        %get3A_175 = arith.index_cast %get3A : i32 to index
        %get3A_176 = arith.index_cast %scan3A_174 : i32 to index
        %get3A_177 = arith.constant 0 : index
        %get3A_178 = tpu.vector_load %arg7[%get3A_175, %get3A_176, %get3A_177] {strides = array<i32>} : memref<2x80x128xf32, #tpu.memory_space<vmem>>, vector<16xf32>,
        %swap3A = arith.constant 0 : i32
        %swap3A_179 = arith.index_cast %swap3A : i32 to index
        %swap3A_180 = arith.index_cast %scan3A_174 : i32 to index
        %swap3A_181 = arith.constant 256 : index
        %swap3A_182 = tpu.vector_load %arg8[%swap3A_179, %swap3A_180, %swap3A_181] {strides = array<i32>} : memref<2x80x300xf32, #tpu.memory_space<vmem>>, vector<16xf32>,
        tpu.vector_store %arg8[%swap3A_179, %swap3A_180, %swap3A_181], %get3A_178 {strides = array<i32>} : memref<2x80x300xf32, #tpu.memory_space<vmem>>, vector<16xf32>,
        %get3A_183 = arith.constant 0 : i32
        %get3A_184 = arith.index_cast %get3A_183 : i32 to index
        %get3A_185 = arith.index_cast %scan3A_174 : i32 to index
        %get3A_186 = arith.constant 16 : index
        %get3A_187 = tpu.vector_load %arg7[%get3A_184, %get3A_185, %get3A_186] {strides = array<i32>} : memref<2x80x128xf32, #tpu.memory_space<vmem>>, vector<16xf32>,
        %swap3A_188 = arith.constant 0 : i32
        %swap3A_189 = arith.index_cast %swap3A_188 : i32 to index
        %swap3A_190 = arith.index_cast %scan3A_174 : i32 to index
        %swap3A_191 = arith.constant 272 : index
        %swap3A_192 = tpu.vector_load %arg8[%swap3A_189, %swap3A_190, %swap3A_191] {strides = array<i32>} : memref<2x80x300xf32, #tpu.memory_space<vmem>>, vector<16xf32>,
        tpu.vector_store %arg8[%swap3A_189, %swap3A_190, %swap3A_191], %get3A_187 {strides = array<i32>} : memref<2x80x300xf32, #tpu.memory_space<vmem>>, vector<16xf32>,
        %get3A_193 = arith.constant 0 : i32
        %get3A_194 = arith.index_cast %get3A_193 : i32 to index
        %get3A_195 = arith.index_cast %scan3A_174 : i32 to index
        %get3A_196 = arith.constant 32 : index
        %get3A_197 = tpu.vector_load %arg7[%get3A_194, %get3A_195, %get3A_196] {strides = array<i32>} : memref<2x80x128xf32, #tpu.memory_space<vmem>>, vector<16xf32>,
        %broadcast_in_dim3A = vector.broadcast %scan3A_174 : i32 to vector<16xi32>
        %iota3A = tpu.iota {dimensions = array<i32: 0>} : vector<16xi32>
        %add3A_198 = arith.constant 288 : i32
        %add3A_199 = vector.broadcast %add3A_198 : i32 to vector<16xi32>
        %add3A_200 = arith.addi %add3A_199, %iota3A : vector<16xi32>
        %iota3A_201 = tpu.iota {dimensions = array<i32: 0>} : vector<16xi32>
        %lt3A_202 = arith.constant 12 : i32
        %lt3A_203 = vector.broadcast %lt3A_202 : i32 to vector<16xi32>
        %lt3A_204 = arith.cmpi slt, %iota3A_201, %lt3A_203 : vector<16xi32>
        %scatter3A = arith.constant 0 : i32
        %scatter3A_205 = arith.constant 0 : i32
        %scatter3A_206 = arith.constant 0 : i32
        %scatter3A_207 = tpu.memref_slice %arg8[%scatter3A, %scatter3A_205, %scatter3A_206] : memref<2x80x300xf32, #tpu.memory_space<vmem>> -> memref<1x80x300xf32, #tpu.memory_space<vmem>>
        %scatter3A_208 = tpu.memref_squeeze %scatter3A_207 : memref<1x80x300xf32, #tpu.memory_space<vmem>> -> memref<80x300xf32, #tpu.memory_space<vmem>>
        tpu.vector_store_idx %scatter3A_208[%broadcast_in_dim3A, %add3A_200], %get3A_197 masked %lt3A_204 : memref<80x300xf32, #tpu.memory_space<vmem>>[vector<16xi32>, vector<16xi32>], vector<16xf32>, vector<16xi1>
        %scan3A_209 = arith.constant 1 : i32
        %scan3A_210 = arith.addi %scan3A_174, %scan3A_209 : i32
        %get3A_211 = arith.constant 0 : i32
        %get3A_212 = arith.index_cast %get3A_211 : i32 to index
        %get3A_213 = arith.index_cast %scan3A_210 : i32 to index
        %get3A_214 = arith.constant 0 : index
        %get3A_215 = tpu.vector_load %arg7[%get3A_212, %get3A_213, %get3A_214] {strides = array<i32>} : memref<2x80x128xf32, #tpu.memory_space<vmem>>, vector<16xf32>,
        %swap3A_216 = arith.constant 0 : i32
        %swap3A_217 = arith.index_cast %swap3A_216 : i32 to index
        %swap3A_218 = arith.index_cast %scan3A_210 : i32 to index
        %swap3A_219 = arith.constant 256 : index
        %swap3A_220 = tpu.vector_load %arg8[%swap3A_217, %swap3A_218, %swap3A_219] {strides = array<i32>} : memref<2x80x300xf32, #tpu.memory_space<vmem>>, vector<16xf32>,
        tpu.vector_store %arg8[%swap3A_217, %swap3A_218, %swap3A_219], %get3A_215 {strides = array<i32>} : memref<2x80x300xf32, #tpu.memory_space<vmem>>, vector<16xf32>,
        %get3A_221 = arith.constant 0 : i32
        %get3A_222 = arith.index_cast %get3A_221 : i32 to index
        %get3A_223 = arith.index_cast %scan3A_210 : i32 to index
        %get3A_224 = arith.constant 16 : index
        %get3A_225 = tpu.vector_load %arg7[%get3A_222, %get3A_223, %get3A_224] {strides = array<i32>} : memref<2x80x128xf32, #tpu.memory_space<vmem>>, vector<16xf32>,
        %swap3A_226 = arith.constant 0 : i32
        %swap3A_227 = arith.index_cast %swap3A_226 : i32 to index
        %swap3A_228 = arith.index_cast %scan3A_210 : i32 to index
        %swap3A_229 = arith.constant 272 : index
        %swap3A_230 = tpu.vector_load %arg8[%swap3A_227, %swap3A_228, %swap3A_229] {strides = array<i32>} : memref<2x80x300xf32, #tpu.memory_space<vmem>>, vector<16xf32>,
        tpu.vector_store %arg8[%swap3A_227, %swap3A_228, %swap3A_229], %get3A_225 {strides = array<i32>} : memref<2x80x300xf32, #tpu.memory_space<vmem>>, vector<16xf32>,
        %get3A_231 = arith.constant 0 : i32
        %get3A_232 = arith.index_cast %get3A_231 : i32 to index
        %get3A_233 = arith.index_cast %scan3A_210 : i32 to index
        %get3A_234 = arith.constant 32 : index
        %get3A_235 = tpu.vector_load %arg7[%get3A_232, %get3A_233, %get3A_234] {strides = array<i32>} : memref<2x80x128xf32, #tpu.memory_space<vmem>>, vector<16xf32>,
        %broadcast_in_dim3A_236 = vector.broadcast %scan3A_210 : i32 to vector<16xi32>
        %iota3A_237 = tpu.iota {dimensions = array<i32: 0>} : vector<16xi32>
        %add3A_238 = arith.constant 288 : i32
        %add3A_239 = vector.broadcast %add3A_238 : i32 to vector<16xi32>
        %add3A_240 = arith.addi %add3A_239, %iota3A_237 : vector<16xi32>
        %iota3A_241 = tpu.iota {dimensions = array<i32: 0>} : vector<16xi32>
        %lt3A_242 = arith.constant 12 : i32
        %lt3A_243 = vector.broadcast %lt3A_242 : i32 to vector<16xi32>
        %lt3A_244 = arith.cmpi slt, %iota3A_241, %lt3A_243 : vector<16xi32>
        %scatter3A_245 = arith.constant 0 : i32
        %scatter3A_246 = arith.constant 0 : i32
        %scatter3A_247 = arith.constant 0 : i32
        %scatter3A_248 = tpu.memref_slice %arg8[%scatter3A_245, %scatter3A_246, %scatter3A_247] : memref<2x80x300xf32, #tpu.memory_space<vmem>> -> memref<1x80x300xf32, #tpu.memory_space<vmem>>
        %scatter3A_249 = tpu.memref_squeeze %scatter3A_248 : memref<1x80x300xf32, #tpu.memory_space<vmem>> -> memref<80x300xf32, #tpu.memory_space<vmem>>
        tpu.vector_store_idx %scatter3A_249[%broadcast_in_dim3A_236, %add3A_240], %get3A_235 masked %lt3A_244 : memref<80x300xf32, #tpu.memory_space<vmem>>[vector<16xi32>, vector<16xi32>], vector<16xf32>, vector<16xi1>
        %scan3A_250 = arith.constant 2 : i32
        %scan3A_251 = arith.addi %scan3A_174, %scan3A_250 : i32
        %get3A_252 = arith.constant 0 : i32
        %get3A_253 = arith.index_cast %get3A_252 : i32 to index
        %get3A_254 = arith.index_cast %scan3A_251 : i32 to index
        %get3A_255 = arith.constant 0 : index
        %get3A_256 = tpu.vector_load %arg7[%get3A_253, %get3A_254, %get3A_255] {strides = array<i32>} : memref<2x80x128xf32, #tpu.memory_space<vmem>>, vector<16xf32>,
        %swap3A_257 = arith.constant 0 : i32
        %swap3A_258 = arith.index_cast %swap3A_257 : i32 to index
        %swap3A_259 = arith.index_cast %scan3A_251 : i32 to index
        %swap3A_260 = arith.constant 256 : index
        %swap3A_261 = tpu.vector_load %arg8[%swap3A_258, %swap3A_259, %swap3A_260] {strides = array<i32>} : memref<2x80x300xf32, #tpu.memory_space<vmem>>, vector<16xf32>,
        tpu.vector_store %arg8[%swap3A_258, %swap3A_259, %swap3A_260], %get3A_256 {strides = array<i32>} : memref<2x80x300xf32, #tpu.memory_space<vmem>>, vector<16xf32>,
        %get3A_262 = arith.constant 0 : i32
        %get3A_263 = arith.index_cast %get3A_262 : i32 to index
        %get3A_264 = arith.index_cast %scan3A_251 : i32 to index
        %get3A_265 = arith.constant 16 : index
        %get3A_266 = tpu.vector_load %arg7[%get3A_263, %get3A_264, %get3A_265] {strides = array<i32>} : memref<2x80x128xf32, #tpu.memory_space<vmem>>, vector<16xf32>,
        %swap3A_267 = arith.constant 0 : i32
        %swap3A_268 = arith.index_cast %swap3A_267 : i32 to index
        %swap3A_269 = arith.index_cast %scan3A_251 : i32 to index
        %swap3A_270 = arith.constant 272 : index
        %swap3A_271 = tpu.vector_load %arg8[%swap3A_268, %swap3A_269, %swap3A_270] {strides = array<i32>} : memref<2x80x300xf32, #tpu.memory_space<vmem>>, vector<16xf32>,
        tpu.vector_store %arg8[%swap3A_268, %swap3A_269, %swap3A_270], %get3A_266 {strides = array<i32>} : memref<2x80x300xf32, #tpu.memory_space<vmem>>, vector<16xf32>,
        %get3A_272 = arith.constant 0 : i32
        %get3A_273 = arith.index_cast %get3A_272 : i32 to index
        %get3A_274 = arith.index_cast %scan3A_251 : i32 to index
        %get3A_275 = arith.constant 32 : index
        %get3A_276 = tpu.vector_load %arg7[%get3A_273, %get3A_274, %get3A_275] {strides = array<i32>} : memref<2x80x128xf32, #tpu.memory_space<vmem>>, vector<16xf32>,
        %broadcast_in_dim3A_277 = vector.broadcast %scan3A_251 : i32 to vector<16xi32>
        %iota3A_278 = tpu.iota {dimensions = array<i32: 0>} : vector<16xi32>
        %add3A_279 = arith.constant 288 : i32
        %add3A_280 = vector.broadcast %add3A_279 : i32 to vector<16xi32>
        %add3A_281 = arith.addi %add3A_280, %iota3A_278 : vector<16xi32>
        %iota3A_282 = tpu.iota {dimensions = array<i32: 0>} : vector<16xi32>
        %lt3A_283 = arith.constant 12 : i32
        %lt3A_284 = vector.broadcast %lt3A_283 : i32 to vector<16xi32>
        %lt3A_285 = arith.cmpi slt, %iota3A_282, %lt3A_284 : vector<16xi32>
        %scatter3A_286 = arith.constant 0 : i32
        %scatter3A_287 = arith.constant 0 : i32
        %scatter3A_288 = arith.constant 0 : i32
        %scatter3A_289 = tpu.memref_slice %arg8[%scatter3A_286, %scatter3A_287, %scatter3A_288] : memref<2x80x300xf32, #tpu.memory_space<vmem>> -> memref<1x80x300xf32, #tpu.memory_space<vmem>>
        %scatter3A_290 = tpu.memref_squeeze %scatter3A_289 : memref<1x80x300xf32, #tpu.memory_space<vmem>> -> memref<80x300xf32, #tpu.memory_space<vmem>>
        tpu.vector_store_idx %scatter3A_290[%broadcast_in_dim3A_277, %add3A_281], %get3A_276 masked %lt3A_285 : memref<80x300xf32, #tpu.memory_space<vmem>>[vector<16xi32>, vector<16xi32>], vector<16xf32>, vector<16xi1>
        %scan3A_291 = arith.constant 3 : i32
        %scan3A_292 = arith.addi %scan3A_174, %scan3A_291 : i32
        %get3A_293 = arith.constant 0 : i32
        %get3A_294 = arith.index_cast %get3A_293 : i32 to index
        %get3A_295 = arith.index_cast %scan3A_292 : i32 to index
        %get3A_296 = arith.constant 0 : index
        %get3A_297 = tpu.vector_load %arg7[%get3A_294, %get3A_295, %get3A_296] {strides = array<i32>} : memref<2x80x128xf32, #tpu.memory_space<vmem>>, vector<16xf32>,
        %swap3A_298 = arith.constant 0 : i32
        %swap3A_299 = arith.index_cast %swap3A_298 : i32 to index
        %swap3A_300 = arith.index_cast %scan3A_292 : i32 to index
        %swap3A_301 = arith.constant 256 : index
        %swap3A_302 = tpu.vector_load %arg8[%swap3A_299, %swap3A_300, %swap3A_301] {strides = array<i32>} : memref<2x80x300xf32, #tpu.memory_space<vmem>>, vector<16xf32>,
        tpu.vector_store %arg8[%swap3A_299, %swap3A_300, %swap3A_301], %get3A_297 {strides = array<i32>} : memref<2x80x300xf32, #tpu.memory_space<vmem>>, vector<16xf32>,
        %get3A_303 = arith.constant 0 : i32
        %get3A_304 = arith.index_cast %get3A_303 : i32 to index
        %get3A_305 = arith.index_cast %scan3A_292 : i32 to index
        %get3A_306 = arith.constant 16 : index
        %get3A_307 = tpu.vector_load %arg7[%get3A_304, %get3A_305, %get3A_306] {strides = array<i32>} : memref<2x80x128xf32, #tpu.memory_space<vmem>>, vector<16xf32>,
        %swap3A_308 = arith.constant 0 : i32
        %swap3A_309 = arith.index_cast %swap3A_308 : i32 to index
        %swap3A_310 = arith.index_cast %scan3A_292 : i32 to index
        %swap3A_311 = arith.constant 272 : index
        %swap3A_312 = tpu.vector_load %arg8[%swap3A_309, %swap3A_310, %swap3A_311] {strides = array<i32>} : memref<2x80x300xf32, #tpu.memory_space<vmem>>, vector<16xf32>,
        tpu.vector_store %arg8[%swap3A_309, %swap3A_310, %swap3A_311], %get3A_307 {strides = array<i32>} : memref<2x80x300xf32, #tpu.memory_space<vmem>>, vector<16xf32>,
        %get3A_313 = arith.constant 0 : i32
        %get3A_314 = arith.index_cast %get3A_313 : i32 to index
        %get3A_315 = arith.index_cast %scan3A_292 : i32 to index
        %get3A_316 = arith.constant 32 : index
        %get3A_317 = tpu.vector_load %arg7[%get3A_314, %get3A_315, %get3A_316] {strides = array<i32>} : memref<2x80x128xf32, #tpu.memory_space<vmem>>, vector<16xf32>,
        %broadcast_in_dim3A_318 = vector.broadcast %scan3A_292 : i32 to vector<16xi32>
        %iota3A_319 = tpu.iota {dimensions = array<i32: 0>} : vector<16xi32>
        %add3A_320 = arith.constant 288 : i32
        %add3A_321 = vector.broadcast %add3A_320 : i32 to vector<16xi32>
        %add3A_322 = arith.addi %add3A_321, %iota3A_319 : vector<16xi32>
        %iota3A_323 = tpu.iota {dimensions = array<i32: 0>} : vector<16xi32>
        %lt3A_324 = arith.constant 12 : i32
        %lt3A_325 = vector.broadcast %lt3A_324 : i32 to vector<16xi32>
        %lt3A_326 = arith.cmpi slt, %iota3A_323, %lt3A_325 : vector<16xi32>
        %scatter3A_327 = arith.constant 0 : i32
        %scatter3A_328 = arith.constant 0 : i32
        %scatter3A_329 = arith.constant 0 : i32
        %scatter3A_330 = tpu.memref_slice %arg8[%scatter3A_327, %scatter3A_328, %scatter3A_329] : memref<2x80x300xf32, #tpu.memory_space<vmem>> -> memref<1x80x300xf32, #tpu.memory_space<vmem>>
        %scatter3A_331 = tpu.memref_squeeze %scatter3A_330 : memref<1x80x300xf32, #tpu.memory_space<vmem>> -> memref<80x300xf32, #tpu.memory_space<vmem>>
        tpu.vector_store_idx %scatter3A_331[%broadcast_in_dim3A_318, %add3A_322], %get3A_317 masked %lt3A_326 : memref<80x300xf32, #tpu.memory_space<vmem>>[vector<16xi32>, vector<16xi32>], vector<16xf32>, vector<16xi1>
        %scan3A_332 = arith.constant 4 : i32
        %scan3A_333 = arith.addi %scan3A_174, %scan3A_332 : i32
        %get3A_334 = arith.constant 0 : i32
        %get3A_335 = arith.index_cast %get3A_334 : i32 to index
        %get3A_336 = arith.index_cast %scan3A_333 : i32 to index
        %get3A_337 = arith.constant 0 : index
        %get3A_338 = tpu.vector_load %arg7[%get3A_335, %get3A_336, %get3A_337] {strides = array<i32>} : memref<2x80x128xf32, #tpu.memory_space<vmem>>, vector<16xf32>,
        %swap3A_339 = arith.constant 0 : i32
        %swap3A_340 = arith.index_cast %swap3A_339 : i32 to index
        %swap3A_341 = arith.index_cast %scan3A_333 : i32 to index
        %swap3A_342 = arith.constant 256 : index
        %swap3A_343 = tpu.vector_load %arg8[%swap3A_340, %swap3A_341, %swap3A_342] {strides = array<i32>} : memref<2x80x300xf32, #tpu.memory_space<vmem>>, vector<16xf32>,
        tpu.vector_store %arg8[%swap3A_340, %swap3A_341, %swap3A_342], %get3A_338 {strides = array<i32>} : memref<2x80x300xf32, #tpu.memory_space<vmem>>, vector<16xf32>,
        %get3A_344 = arith.constant 0 : i32
        %get3A_345 = arith.index_cast %get3A_344 : i32 to index
        %get3A_346 = arith.index_cast %scan3A_333 : i32 to index
        %get3A_347 = arith.constant 16 : index
        %get3A_348 = tpu.vector_load %arg7[%get3A_345, %get3A_346, %get3A_347] {strides = array<i32>} : memref<2x80x128xf32, #tpu.memory_space<vmem>>, vector<16xf32>,
        %swap3A_349 = arith.constant 0 : i32
        %swap3A_350 = arith.index_cast %swap3A_349 : i32 to index
        %swap3A_351 = arith.index_cast %scan3A_333 : i32 to index
        %swap3A_352 = arith.constant 272 : index
        %swap3A_353 = tpu.vector_load %arg8[%swap3A_350, %swap3A_351, %swap3A_352] {strides = array<i32>} : memref<2x80x300xf32, #tpu.memory_space<vmem>>, vector<16xf32>,
        tpu.vector_store %arg8[%swap3A_350, %swap3A_351, %swap3A_352], %get3A_348 {strides = array<i32>} : memref<2x80x300xf32, #tpu.memory_space<vmem>>, vector<16xf32>,
        %get3A_354 = arith.constant 0 : i32
        %get3A_355 = arith.index_cast %get3A_354 : i32 to index
        %get3A_356 = arith.index_cast %scan3A_333 : i32 to index
        %get3A_357 = arith.constant 32 : index
        %get3A_358 = tpu.vector_load %arg7[%get3A_355, %get3A_356, %get3A_357] {strides = array<i32>} : memref<2x80x128xf32, #tpu.memory_space<vmem>>, vector<16xf32>,
        %broadcast_in_dim3A_359 = vector.broadcast %scan3A_333 : i32 to vector<16xi32>
        %iota3A_360 = tpu.iota {dimensions = array<i32: 0>} : vector<16xi32>
        %add3A_361 = arith.constant 288 : i32
        %add3A_362 = vector.broadcast %add3A_361 : i32 to vector<16xi32>
        %add3A_363 = arith.addi %add3A_362, %iota3A_360 : vector<16xi32>
        %iota3A_364 = tpu.iota {dimensions = array<i32: 0>} : vector<16xi32>
        %lt3A_365 = arith.constant 12 : i32
        %lt3A_366 = vector.broadcast %lt3A_365 : i32 to vector<16xi32>
        %lt3A_367 = arith.cmpi slt, %iota3A_364, %lt3A_366 : vector<16xi32>
        %scatter3A_368 = arith.constant 0 : i32
        %scatter3A_369 = arith.constant 0 : i32
        %scatter3A_370 = arith.constant 0 : i32
        %scatter3A_371 = tpu.memref_slice %arg8[%scatter3A_368, %scatter3A_369, %scatter3A_370] : memref<2x80x300xf32, #tpu.memory_space<vmem>> -> memref<1x80x300xf32, #tpu.memory_space<vmem>>
        %scatter3A_372 = tpu.memref_squeeze %scatter3A_371 : memref<1x80x300xf32, #tpu.memory_space<vmem>> -> memref<80x300xf32, #tpu.memory_space<vmem>>
        tpu.vector_store_idx %scatter3A_372[%broadcast_in_dim3A_359, %add3A_363], %get3A_358 masked %lt3A_367 : memref<80x300xf32, #tpu.memory_space<vmem>>[vector<16xi32>, vector<16xi32>], vector<16xf32>, vector<16xi1>
        %scan3A_373 = arith.constant 5 : i32
        %scan3A_374 = arith.addi %scan3A_174, %scan3A_373 : i32
        %get3A_375 = arith.constant 0 : i32
        %get3A_376 = arith.index_cast %get3A_375 : i32 to index
        %get3A_377 = arith.index_cast %scan3A_374 : i32 to index
        %get3A_378 = arith.constant 0 : index
        %get3A_379 = tpu.vector_load %arg7[%get3A_376, %get3A_377, %get3A_378] {strides = array<i32>} : memref<2x80x128xf32, #tpu.memory_space<vmem>>, vector<16xf32>,
        %swap3A_380 = arith.constant 0 : i32
        %swap3A_381 = arith.index_cast %swap3A_380 : i32 to index
        %swap3A_382 = arith.index_cast %scan3A_374 : i32 to index
        %swap3A_383 = arith.constant 256 : index
        %swap3A_384 = tpu.vector_load %arg8[%swap3A_381, %swap3A_382, %swap3A_383] {strides = array<i32>} : memref<2x80x300xf32, #tpu.memory_space<vmem>>, vector<16xf32>,
        tpu.vector_store %arg8[%swap3A_381, %swap3A_382, %swap3A_383], %get3A_379 {strides = array<i32>} : memref<2x80x300xf32, #tpu.memory_space<vmem>>, vector<16xf32>,
        %get3A_385 = arith.constant 0 : i32
        %get3A_386 = arith.index_cast %get3A_385 : i32 to index
        %get3A_387 = arith.index_cast %scan3A_374 : i32 to index
        %get3A_388 = arith.constant 16 : index
        %get3A_389 = tpu.vector_load %arg7[%get3A_386, %get3A_387, %get3A_388] {strides = array<i32>} : memref<2x80x128xf32, #tpu.memory_space<vmem>>, vector<16xf32>,
        %swap3A_390 = arith.constant 0 : i32
        %swap3A_391 = arith.index_cast %swap3A_390 : i32 to index
        %swap3A_392 = arith.index_cast %scan3A_374 : i32 to index
        %swap3A_393 = arith.constant 272 : index
        %swap3A_394 = tpu.vector_load %arg8[%swap3A_391, %swap3A_392, %swap3A_393] {strides = array<i32>} : memref<2x80x300xf32, #tpu.memory_space<vmem>>, vector<16xf32>,
        tpu.vector_store %arg8[%swap3A_391, %swap3A_392, %swap3A_393], %get3A_389 {strides = array<i32>} : memref<2x80x300xf32, #tpu.memory_space<vmem>>, vector<16xf32>,
        %get3A_395 = arith.constant 0 : i32
        %get3A_396 = arith.index_cast %get3A_395 : i32 to index
        %get3A_397 = arith.index_cast %scan3A_374 : i32 to index
        %get3A_398 = arith.constant 32 : index
        %get3A_399 = tpu.vector_load %arg7[%get3A_396, %get3A_397, %get3A_398] {strides = array<i32>} : memref<2x80x128xf32, #tpu.memory_space<vmem>>, vector<16xf32>,
        %broadcast_in_dim3A_400 = vector.broadcast %scan3A_374 : i32 to vector<16xi32>
        %iota3A_401 = tpu.iota {dimensions = array<i32: 0>} : vector<16xi32>
        %add3A_402 = arith.constant 288 : i32
        %add3A_403 = vector.broadcast %add3A_402 : i32 to vector<16xi32>
        %add3A_404 = arith.addi %add3A_403, %iota3A_401 : vector<16xi32>
        %iota3A_405 = tpu.iota {dimensions = array<i32: 0>} : vector<16xi32>
        %lt3A_406 = arith.constant 12 : i32
        %lt3A_407 = vector.broadcast %lt3A_406 : i32 to vector<16xi32>
        %lt3A_408 = arith.cmpi slt, %iota3A_405, %lt3A_407 : vector<16xi32>
        %scatter3A_409 = arith.constant 0 : i32
        %scatter3A_410 = arith.constant 0 : i32
        %scatter3A_411 = arith.constant 0 : i32
        %scatter3A_412 = tpu.memref_slice %arg8[%scatter3A_409, %scatter3A_410, %scatter3A_411] : memref<2x80x300xf32, #tpu.memory_space<vmem>> -> memref<1x80x300xf32, #tpu.memory_space<vmem>>
        %scatter3A_413 = tpu.memref_squeeze %scatter3A_412 : memref<1x80x300xf32, #tpu.memory_space<vmem>> -> memref<80x300xf32, #tpu.memory_space<vmem>>
        tpu.vector_store_idx %scatter3A_413[%broadcast_in_dim3A_400, %add3A_404], %get3A_399 masked %lt3A_408 : memref<80x300xf32, #tpu.memory_space<vmem>>[vector<16xi32>, vector<16xi32>], vector<16xf32>, vector<16xi1>
        %scan3A_414 = arith.constant 6 : i32
        %scan3A_415 = arith.addi %scan3A_174, %scan3A_414 : i32
        %get3A_416 = arith.constant 0 : i32
        %get3A_417 = arith.index_cast %get3A_416 : i32 to index
        %get3A_418 = arith.index_cast %scan3A_415 : i32 to index
        %get3A_419 = arith.constant 0 : index
        %get3A_420 = tpu.vector_load %arg7[%get3A_417, %get3A_418, %get3A_419] {strides = array<i32>} : memref<2x80x128xf32, #tpu.memory_space<vmem>>, vector<16xf32>,
        %swap3A_421 = arith.constant 0 : i32
        %swap3A_422 = arith.index_cast %swap3A_421 : i32 to index
        %swap3A_423 = arith.index_cast %scan3A_415 : i32 to index
        %swap3A_424 = arith.constant 256 : index
        %swap3A_425 = tpu.vector_load %arg8[%swap3A_422, %swap3A_423, %swap3A_424] {strides = array<i32>} : memref<2x80x300xf32, #tpu.memory_space<vmem>>, vector<16xf32>,
        tpu.vector_store %arg8[%swap3A_422, %swap3A_423, %swap3A_424], %get3A_420 {strides = array<i32>} : memref<2x80x300xf32, #tpu.memory_space<vmem>>, vector<16xf32>,
        %get3A_426 = arith.constant 0 : i32
        %get3A_427 = arith.index_cast %get3A_426 : i32 to index
        %get3A_428 = arith.index_cast %scan3A_415 : i32 to index
        %get3A_429 = arith.constant 16 : index
        %get3A_430 = tpu.vector_load %arg7[%get3A_427, %get3A_428, %get3A_429] {strides = array<i32>} : memref<2x80x128xf32, #tpu.memory_space<vmem>>, vector<16xf32>,
        %swap3A_431 = arith.constant 0 : i32
        %swap3A_432 = arith.index_cast %swap3A_431 : i32 to index
        %swap3A_433 = arith.index_cast %scan3A_415 : i32 to index
        %swap3A_434 = arith.constant 272 : index
        %swap3A_435 = tpu.vector_load %arg8[%swap3A_432, %swap3A_433, %swap3A_434] {strides = array<i32>} : memref<2x80x300xf32, #tpu.memory_space<vmem>>, vector<16xf32>,
        tpu.vector_store %arg8[%swap3A_432, %swap3A_433, %swap3A_434], %get3A_430 {strides = array<i32>} : memref<2x80x300xf32, #tpu.memory_space<vmem>>, vector<16xf32>,
        %get3A_436 = arith.constant 0 : i32
        %get3A_437 = arith.index_cast %get3A_436 : i32 to index
        %get3A_438 = arith.index_cast %scan3A_415 : i32 to index
        %get3A_439 = arith.constant 32 : index
        %get3A_440 = tpu.vector_load %arg7[%get3A_437, %get3A_438, %get3A_439] {strides = array<i32>} : memref<2x80x128xf32, #tpu.memory_space<vmem>>, vector<16xf32>,
        %broadcast_in_dim3A_441 = vector.broadcast %scan3A_415 : i32 to vector<16xi32>
        %iota3A_442 = tpu.iota {dimensions = array<i32: 0>} : vector<16xi32>
        %add3A_443 = arith.constant 288 : i32
        %add3A_444 = vector.broadcast %add3A_443 : i32 to vector<16xi32>
        %add3A_445 = arith.addi %add3A_444, %iota3A_442 : vector<16xi32>
        %iota3A_446 = tpu.iota {dimensions = array<i32: 0>} : vector<16xi32>
        %lt3A_447 = arith.constant 12 : i32
        %lt3A_448 = vector.broadcast %lt3A_447 : i32 to vector<16xi32>
        %lt3A_449 = arith.cmpi slt, %iota3A_446, %lt3A_448 : vector<16xi32>
        %scatter3A_450 = arith.constant 0 : i32
        %scatter3A_451 = arith.constant 0 : i32
        %scatter3A_452 = arith.constant 0 : i32
        %scatter3A_453 = tpu.memref_slice %arg8[%scatter3A_450, %scatter3A_451, %scatter3A_452] : memref<2x80x300xf32, #tpu.memory_space<vmem>> -> memref<1x80x300xf32, #tpu.memory_space<vmem>>
        %scatter3A_454 = tpu.memref_squeeze %scatter3A_453 : memref<1x80x300xf32, #tpu.memory_space<vmem>> -> memref<80x300xf32, #tpu.memory_space<vmem>>
        tpu.vector_store_idx %scatter3A_454[%broadcast_in_dim3A_441, %add3A_445], %get3A_440 masked %lt3A_449 : memref<80x300xf32, #tpu.memory_space<vmem>>[vector<16xi32>, vector<16xi32>], vector<16xf32>, vector<16xi1>
        %scan3A_455 = arith.constant 7 : i32
        %scan3A_456 = arith.addi %scan3A_174, %scan3A_455 : i32
        %get3A_457 = arith.constant 0 : i32
        %get3A_458 = arith.index_cast %get3A_457 : i32 to index
        %get3A_459 = arith.index_cast %scan3A_456 : i32 to index
        %get3A_460 = arith.constant 0 : index
        %get3A_461 = tpu.vector_load %arg7[%get3A_458, %get3A_459, %get3A_460] {strides = array<i32>} : memref<2x80x128xf32, #tpu.memory_space<vmem>>, vector<16xf32>,
        %swap3A_462 = arith.constant 0 : i32
        %swap3A_463 = arith.index_cast %swap3A_462 : i32 to index
        %swap3A_464 = arith.index_cast %scan3A_456 : i32 to index
        %swap3A_465 = arith.constant 256 : index
        %swap3A_466 = tpu.vector_load %arg8[%swap3A_463, %swap3A_464, %swap3A_465] {strides = array<i32>} : memref<2x80x300xf32, #tpu.memory_space<vmem>>, vector<16xf32>,
        tpu.vector_store %arg8[%swap3A_463, %swap3A_464, %swap3A_465], %get3A_461 {strides = array<i32>} : memref<2x80x300xf32, #tpu.memory_space<vmem>>, vector<16xf32>,
        %get3A_467 = arith.constant 0 : i32
        %get3A_468 = arith.index_cast %get3A_467 : i32 to index
        %get3A_469 = arith.index_cast %scan3A_456 : i32 to index
        %get3A_470 = arith.constant 16 : index
        %get3A_471 = tpu.vector_load %arg7[%get3A_468, %get3A_469, %get3A_470] {strides = array<i32>} : memref<2x80x128xf32, #tpu.memory_space<vmem>>, vector<16xf32>,
        %swap3A_472 = arith.constant 0 : i32
        %swap3A_473 = arith.index_cast %swap3A_472 : i32 to index
        %swap3A_474 = arith.index_cast %scan3A_456 : i32 to index
        %swap3A_475 = arith.constant 272 : index
        %swap3A_476 = tpu.vector_load %arg8[%swap3A_473, %swap3A_474, %swap3A_475] {strides = array<i32>} : memref<2x80x300xf32, #tpu.memory_space<vmem>>, vector<16xf32>,
        tpu.vector_store %arg8[%swap3A_473, %swap3A_474, %swap3A_475], %get3A_471 {strides = array<i32>} : memref<2x80x300xf32, #tpu.memory_space<vmem>>, vector<16xf32>,
        %get3A_477 = arith.constant 0 : i32
        %get3A_478 = arith.index_cast %get3A_477 : i32 to index
        %get3A_479 = arith.index_cast %scan3A_456 : i32 to index
        %get3A_480 = arith.constant 32 : index
        %get3A_481 = tpu.vector_load %arg7[%get3A_478, %get3A_479, %get3A_480] {strides = array<i32>} : memref<2x80x128xf32, #tpu.memory_space<vmem>>, vector<16xf32>,
        %broadcast_in_dim3A_482 = vector.broadcast %scan3A_456 : i32 to vector<16xi32>
        %iota3A_483 = tpu.iota {dimensions = array<i32: 0>} : vector<16xi32>
        %add3A_484 = arith.constant 288 : i32
        %add3A_485 = vector.broadcast %add3A_484 : i32 to vector<16xi32>
        %add3A_486 = arith.addi %add3A_485, %iota3A_483 : vector<16xi32>
        %iota3A_487 = tpu.iota {dimensions = array<i32: 0>} : vector<16xi32>
        %lt3A_488 = arith.constant 12 : i32
        %lt3A_489 = vector.broadcast %lt3A_488 : i32 to vector<16xi32>
        %lt3A_490 = arith.cmpi slt, %iota3A_487, %lt3A_489 : vector<16xi32>
        %scatter3A_491 = arith.constant 0 : i32
        %scatter3A_492 = arith.constant 0 : i32
        %scatter3A_493 = arith.constant 0 : i32
        %scatter3A_494 = tpu.memref_slice %arg8[%scatter3A_491, %scatter3A_492, %scatter3A_493] : memref<2x80x300xf32, #tpu.memory_space<vmem>> -> memref<1x80x300xf32, #tpu.memory_space<vmem>>
        %scatter3A_495 = tpu.memref_squeeze %scatter3A_494 : memref<1x80x300xf32, #tpu.memory_space<vmem>> -> memref<80x300xf32, #tpu.memory_space<vmem>>
        tpu.vector_store_idx %scatter3A_495[%broadcast_in_dim3A_482, %add3A_486], %get3A_481 masked %lt3A_490 : memref<80x300xf32, #tpu.memory_space<vmem>>[vector<16xi32>, vector<16xi32>], vector<16xf32>, vector<16xi1>
      }
      %scan3A_86 = arith.constant 80 : i32
      %dma_wait3A_87 = arith.constant 0 : i32
      %dma_wait3A_88 = arith.constant 0 : i32
      %dma_wait3A_89 = arith.constant 0 : i32
      %dma_wait3A_90 = tpu.memref_slice %arg8[%dma_wait3A_87, %dma_wait3A_88, %dma_wait3A_89] : memref<2x80x300xf32, #tpu.memory_space<vmem>> -> memref<1x80x256xf32, #tpu.memory_space<vmem>>
      %dma_wait3A_91 = tpu.memref_squeeze %dma_wait3A_90 : memref<1x80x256xf32, #tpu.memory_space<vmem>> -> memref<80x256xf32, #tpu.memory_space<vmem>>
      %dma_wait3A_92 = arith.constant 0 : i32
      %dma_wait3A_93 = tpu.memref_slice %arg6[%add3A_66, %dma_wait3A_92] : memref<320x80xi32, #tpu.memory_space<vmem>> -> memref<1x80xi32, #tpu.memory_space<vmem>>
      %dma_wait3A_94 = tpu.memref_squeeze %dma_wait3A_93 : memref<1x80xi32, #tpu.memory_space<vmem>> -> memref<80xi32, #tpu.memory_space<vmem>>
      %dma_wait3A_95 = arith.constant 0 : i32
      %dma_wait3A_96 = arith.constant 0 : i32
      %dma_wait3A_97 = tpu.memref_slice %arg3[%dma_wait3A_95, %dma_wait3A_96] : memref<100000x300xf32, #tpu.memory_space<hbm>> -> memref<100000x256xf32, #tpu.memory_space<hbm>>
      %dma_wait3A_98 = arith.constant 0 : i32
      %dma_wait3A_99 = arith.constant 0 : i32
      %dma_wait3A_100 = tpu.memref_slice %dma_wait3A_97[%dma_wait3A_98, %dma_wait3A_99] : memref<100000x256xf32, #tpu.memory_space<hbm>> -> memref<100000x256xf32, #tpu.memory_space<hbm>>
      tpu.wait_indirect_dma semaphore(%arg9 : memref<!tpu.dma_semaphore, #tpu.memory_space<semaphore_mem>>) src(%dma_wait3A_100 : memref<100000x256xf32, #tpu.memory_space<hbm>>) dst(%dma_wait3A_91 : memref<80x256xf32, #tpu.memory_space<vmem>>)
      %mul3A_101 = arith.constant 80 : i32
      %mul3A_102 = arith.muli %add3A_66, %mul3A_101 : i32
      %add3A_103 = arith.addi %mul3A_2, %mul3A_102 : i32
      %dma_start3A_104 = arith.constant 0 : i32
      %dma_start3A_105 = arith.constant 0 : i32
      %dma_start3A_106 = arith.constant 0 : i32
      %dma_start3A_107 = tpu.memref_slice %arg8[%dma_start3A_104, %dma_start3A_105, %dma_start3A_106] : memref<2x80x300xf32, #tpu.memory_space<vmem>> -> memref<1x80x300xf32, #tpu.memory_space<vmem>>
      %dma_start3A_108 = tpu.memref_squeeze %dma_start3A_107 : memref<1x80x300xf32, #tpu.memory_space<vmem>> -> memref<80x300xf32, #tpu.memory_space<vmem>>
      %dma_start3A_109 = arith.constant 0 : i32
      %dma_start3A_110 = tpu.memref_slice %arg5[%add3A_103, %dma_start3A_109] : memref<819200x300xf32, #tpu.memory_space<hbm>> -> memref<80x300xf32, #tpu.memory_space<hbm>>
      %dma_start3A_111 = arith.constant 0 : i32
      %dma_start3A_112 = tpu.memref_slice %arg5[%add3A_103, %dma_start3A_111] : memref<819200x300xf32, #tpu.memory_space<hbm>> -> memref<80x300xf32, #tpu.memory_space<hbm>>
      %dma_start3A_113 = arith.constant 0 : i32
      %dma_start3A_114 = arith.constant 0 : i32
      %dma_start3A_115 = tpu.memref_slice %arg8[%dma_start3A_104, %dma_start3A_113, %dma_start3A_114] : memref<2x80x300xf32, #tpu.memory_space<vmem>> -> memref<1x80x300xf32, #tpu.memory_space<vmem>>
      %dma_start3A_116 = tpu.memref_squeeze %dma_start3A_115 : memref<1x80x300xf32, #tpu.memory_space<vmem>> -> memref<80x300xf32, #tpu.memory_space<vmem>>
      tpu.enqueue_dma source(%dma_start3A_116 : memref<80x300xf32, #tpu.memory_space<vmem>>) target(%dma_start3A_112 : memref<80x300xf32, #tpu.memory_space<hbm>>) target_semaphore(%arg13 : memref<!tpu.dma_semaphore, #tpu.memory_space<semaphore_mem>>)
      %mul3A_117 = arith.constant 2 : i32
      %mul3A_118 = arith.muli %scan3A_62, %mul3A_117 : i32
      %add3A_119 = arith.constant 1 : i32
      %add3A_120 = arith.addi %mul3A_118, %add3A_119 : i32
      %add3A_121 = arith.constant 1 : i32
      %add3A_122 = arith.addi %add3A_120, %add3A_121 : i32
      %lt3A_123 = arith.constant 320 : i32
      %lt3A_124 = arith.cmpi slt, %add3A_122, %lt3A_123 : i32
      %convert_element_type3A_125 = arith.extui %lt3A_124 : i1 to i32
      %cond3A_126 = arith.constant 0 : i32
      %cond3A_127 = arith.cmpi ne, %convert_element_type3A_125, %cond3A_126 : i32
      scf.if %cond3A_127 {
        %ge3A = arith.constant 2 : i32
        %ge3A_174 = arith.cmpi sge, %add3A_122, %ge3A : i32
        %convert_element_type3A_175 = arith.extui %ge3A_174 : i1 to i32
        %cond3A_176 = arith.constant 0 : i32
        %cond3A_177 = arith.cmpi ne, %convert_element_type3A_175, %cond3A_176 : i32
        scf.if %cond3A_177 {
          %sub3A = arith.constant 1 : i32
          %sub3A_203 = arith.subi %add3A_120, %sub3A : i32
          %mul3A_204 = arith.constant 80 : i32
          %mul3A_205 = arith.muli %sub3A_203, %mul3A_204 : i32
          %add3A_206 = arith.addi %mul3A_2, %mul3A_205 : i32
          %dma_wait3A_207 = arith.constant 0 : i32
          %dma_wait3A_208 = arith.constant 0 : i32
          %dma_wait3A_209 = arith.constant 0 : i32
          %dma_wait3A_210 = tpu.memref_slice %arg8[%dma_wait3A_207, %dma_wait3A_208, %dma_wait3A_209] : memref<2x80x300xf32, #tpu.memory_space<vmem>> -> memref<1x80x300xf32, #tpu.memory_space<vmem>>
          %dma_wait3A_211 = tpu.memref_squeeze %dma_wait3A_210 : memref<1x80x300xf32, #tpu.memory_space<vmem>> -> memref<80x300xf32, #tpu.memory_space<vmem>>
          %dma_wait3A_212 = arith.constant 0 : i32
          %dma_wait3A_213 = tpu.memref_slice %arg5[%add3A_206, %dma_wait3A_212] : memref<819200x300xf32, #tpu.memory_space<hbm>> -> memref<80x300xf32, #tpu.memory_space<hbm>>
          %dma_wait3A_214 = arith.constant 0 : i32
          %dma_wait3A_215 = tpu.memref_slice %arg5[%add3A_206, %dma_wait3A_214] : memref<819200x300xf32, #tpu.memory_space<hbm>> -> memref<80x300xf32, #tpu.memory_space<hbm>>
          %dma_wait3A_216 = arith.constant 0 : i32
          %dma_wait3A_217 = arith.constant 0 : i32
          %dma_wait3A_218 = tpu.memref_slice %arg8[%dma_wait3A_207, %dma_wait3A_216, %dma_wait3A_217] : memref<2x80x300xf32, #tpu.memory_space<vmem>> -> memref<1x80x300xf32, #tpu.memory_space<vmem>>
          %dma_wait3A_219 = tpu.memref_squeeze %dma_wait3A_218 : memref<1x80x300xf32, #tpu.memory_space<vmem>> -> memref<80x300xf32, #tpu.memory_space<vmem>>
          tpu.wait_dma2 semaphore(%arg13 : memref<!tpu.dma_semaphore, #tpu.memory_space<semaphore_mem>>) src(%dma_wait3A_219 : memref<80x300xf32, #tpu.memory_space<vmem>>) dst(%dma_wait3A_215 : memref<80x300xf32, #tpu.memory_space<hbm>>)
        } else {
        }
        %dma_start3A_178 = arith.constant 0 : i32
        %dma_start3A_179 = arith.constant 0 : i32
        %dma_start3A_180 = arith.constant 0 : i32
        %dma_start3A_181 = tpu.memref_slice %arg7[%dma_start3A_178, %dma_start3A_179, %dma_start3A_180] : memref<2x80x128xf32, #tpu.memory_space<vmem>> -> memref<1x80x128xf32, #tpu.memory_space<vmem>>
        %dma_start3A_182 = tpu.memref_squeeze %dma_start3A_181 : memref<1x80x128xf32, #tpu.memory_space<vmem>> -> memref<80x128xf32, #tpu.memory_space<vmem>>
        %dma_start3A_183 = arith.constant 0 : i32
        %dma_start3A_184 = tpu.memref_slice %arg6[%add3A_122, %dma_start3A_183] : memref<320x80xi32, #tpu.memory_space<vmem>> -> memref<1x80xi32, #tpu.memory_space<vmem>>
        %dma_start3A_185 = tpu.memref_squeeze %dma_start3A_184 : memref<1x80xi32, #tpu.memory_space<vmem>> -> memref<80xi32, #tpu.memory_space<vmem>>
        %dma_start3A_186 = arith.constant 0 : i32
        %dma_start3A_187 = arith.constant 0 : i32
        %dma_start3A_188 = tpu.memref_slice %arg4[%dma_start3A_186, %dma_start3A_187] : memref<100000x128xf32, #tpu.memory_space<hbm>> -> memref<100000x128xf32, #tpu.memory_space<hbm>>
        tpu.enqueue_indirect_dma source(%dma_start3A_188 : memref<100000x128xf32, #tpu.memory_space<hbm>>) target(%dma_start3A_182 : memref<80x128xf32, #tpu.memory_space<vmem>>) offsets(%dma_start3A_185 : memref<80xi32, #tpu.memory_space<vmem>>) semaphore(%arg11 : memref<!tpu.dma_semaphore, #tpu.memory_space<semaphore_mem>>)
        %dma_start3A_189 = arith.constant 0 : i32
        %dma_start3A_190 = arith.constant 0 : i32
        %dma_start3A_191 = arith.constant 0 : i32
        %dma_start3A_192 = tpu.memref_slice %arg8[%dma_start3A_189, %dma_start3A_190, %dma_start3A_191] : memref<2x80x300xf32, #tpu.memory_space<vmem>> -> memref<1x80x256xf32, #tpu.memory_space<vmem>>
        %dma_start3A_193 = tpu.memref_squeeze %dma_start3A_192 : memref<1x80x256xf32, #tpu.memory_space<vmem>> -> memref<80x256xf32, #tpu.memory_space<vmem>>
        %dma_start3A_194 = arith.constant 0 : i32
        %dma_start3A_195 = tpu.memref_slice %arg6[%add3A_122, %dma_start3A_194] : memref<320x80xi32, #tpu.memory_space<vmem>> -> memref<1x80xi32, #tpu.memory_space<vmem>>
        %dma_start3A_196 = tpu.memref_squeeze %dma_start3A_195 : memref<1x80xi32, #tpu.memory_space<vmem>> -> memref<80xi32, #tpu.memory_space<vmem>>
        %dma_start3A_197 = arith.constant 0 : i32
        %dma_start3A_198 = arith.constant 0 : i32
        %dma_start3A_199 = tpu.memref_slice %arg3[%dma_start3A_197, %dma_start3A_198] : memref<100000x300xf32, #tpu.memory_space<hbm>> -> memref<100000x256xf32, #tpu.memory_space<hbm>>
        %dma_start3A_200 = arith.constant 0 : i32
        %dma_start3A_201 = arith.constant 0 : i32
        %dma_start3A_202 = tpu.memref_slice %dma_start3A_199[%dma_start3A_200, %dma_start3A_201] : memref<100000x256xf32, #tpu.memory_space<hbm>> -> memref<100000x256xf32, #tpu.memory_space<hbm>>
        tpu.enqueue_indirect_dma source(%dma_start3A_202 : memref<100000x256xf32, #tpu.memory_space<hbm>>) target(%dma_start3A_193 : memref<80x256xf32, #tpu.memory_space<vmem>>) offsets(%dma_start3A_196 : memref<80xi32, #tpu.memory_space<vmem>>) semaphore(%arg9 : memref<!tpu.dma_semaphore, #tpu.memory_space<semaphore_mem>>)
      } else {
      }
      %dma_wait3A_128 = arith.constant 1 : i32
      %dma_wait3A_129 = arith.constant 0 : i32
      %dma_wait3A_130 = arith.constant 0 : i32
      %dma_wait3A_131 = tpu.memref_slice %arg7[%dma_wait3A_128, %dma_wait3A_129, %dma_wait3A_130] : memref<2x80x128xf32, #tpu.memory_space<vmem>> -> memref<1x80x128xf32, #tpu.memory_space<vmem>>
      %dma_wait3A_132 = tpu.memref_squeeze %dma_wait3A_131 : memref<1x80x128xf32, #tpu.memory_space<vmem>> -> memref<80x128xf32, #tpu.memory_space<vmem>>
      %dma_wait3A_133 = arith.constant 0 : i32
      %dma_wait3A_134 = tpu.memref_slice %arg6[%add3A_120, %dma_wait3A_133] : memref<320x80xi32, #tpu.memory_space<vmem>> -> memref<1x80xi32, #tpu.memory_space<vmem>>
      %dma_wait3A_135 = tpu.memref_squeeze %dma_wait3A_134 : memref<1x80xi32, #tpu.memory_space<vmem>> -> memref<80xi32, #tpu.memory_space<vmem>>
      %dma_wait3A_136 = arith.constant 0 : i32
      %dma_wait3A_137 = arith.constant 0 : i32
      %dma_wait3A_138 = tpu.memref_slice %arg4[%dma_wait3A_136, %dma_wait3A_137] : memref<100000x128xf32, #tpu.memory_space<hbm>> -> memref<100000x128xf32, #tpu.memory_space<hbm>>
      tpu.wait_indirect_dma semaphore(%arg12 : memref<!tpu.dma_semaphore, #tpu.memory_space<semaphore_mem>>) src(%dma_wait3A_138 : memref<100000x128xf32, #tpu.memory_space<hbm>>) dst(%dma_wait3A_132 : memref<80x128xf32, #tpu.memory_space<vmem>>)
      %scan3A_139 = arith.constant 0 : i32
      %scan3A_140 = arith.constant 80 : i32
      %scan3A_141 = arith.addi %scan3A_139, %scan3A_140 : i32
      %scan3A_142 = arith.constant 8 : i32
      scf.for %scan3A_174 = %scan3A_139 to %scan3A_141 step %scan3A_142  : i32 {
        %get3A = arith.constant 1 : i32
        %get3A_175 = arith.index_cast %get3A : i32 to index
        %get3A_176 = arith.index_cast %scan3A_174 : i32 to index
        %get3A_177 = arith.constant 0 : index
        %get3A_178 = tpu.vector_load %arg7[%get3A_175, %get3A_176, %get3A_177] {strides = array<i32>} : memref<2x80x128xf32, #tpu.memory_space<vmem>>, vector<16xf32>,
        %swap3A = arith.constant 1 : i32
        %swap3A_179 = arith.index_cast %swap3A : i32 to index
        %swap3A_180 = arith.index_cast %scan3A_174 : i32 to index
        %swap3A_181 = arith.constant 256 : index
        %swap3A_182 = tpu.vector_load %arg8[%swap3A_179, %swap3A_180, %swap3A_181] {strides = array<i32>} : memref<2x80x300xf32, #tpu.memory_space<vmem>>, vector<16xf32>,
        tpu.vector_store %arg8[%swap3A_179, %swap3A_180, %swap3A_181], %get3A_178 {strides = array<i32>} : memref<2x80x300xf32, #tpu.memory_space<vmem>>, vector<16xf32>,
        %get3A_183 = arith.constant 1 : i32
        %get3A_184 = arith.index_cast %get3A_183 : i32 to index
        %get3A_185 = arith.index_cast %scan3A_174 : i32 to index
        %get3A_186 = arith.constant 16 : index
        %get3A_187 = tpu.vector_load %arg7[%get3A_184, %get3A_185, %get3A_186] {strides = array<i32>} : memref<2x80x128xf32, #tpu.memory_space<vmem>>, vector<16xf32>,
        %swap3A_188 = arith.constant 1 : i32
        %swap3A_189 = arith.index_cast %swap3A_188 : i32 to index
        %swap3A_190 = arith.index_cast %scan3A_174 : i32 to index
        %swap3A_191 = arith.constant 272 : index
        %swap3A_192 = tpu.vector_load %arg8[%swap3A_189, %swap3A_190, %swap3A_191] {strides = array<i32>} : memref<2x80x300xf32, #tpu.memory_space<vmem>>, vector<16xf32>,
        tpu.vector_store %arg8[%swap3A_189, %swap3A_190, %swap3A_191], %get3A_187 {strides = array<i32>} : memref<2x80x300xf32, #tpu.memory_space<vmem>>, vector<16xf32>,
        %get3A_193 = arith.constant 1 : i32
        %get3A_194 = arith.index_cast %get3A_193 : i32 to index
        %get3A_195 = arith.index_cast %scan3A_174 : i32 to index
        %get3A_196 = arith.constant 32 : index
        %get3A_197 = tpu.vector_load %arg7[%get3A_194, %get3A_195, %get3A_196] {strides = array<i32>} : memref<2x80x128xf32, #tpu.memory_space<vmem>>, vector<16xf32>,
        %broadcast_in_dim3A = vector.broadcast %scan3A_174 : i32 to vector<16xi32>
        %iota3A = tpu.iota {dimensions = array<i32: 0>} : vector<16xi32>
        %add3A_198 = arith.constant 288 : i32
        %add3A_199 = vector.broadcast %add3A_198 : i32 to vector<16xi32>
        %add3A_200 = arith.addi %add3A_199, %iota3A : vector<16xi32>
        %iota3A_201 = tpu.iota {dimensions = array<i32: 0>} : vector<16xi32>
        %lt3A_202 = arith.constant 12 : i32
        %lt3A_203 = vector.broadcast %lt3A_202 : i32 to vector<16xi32>
        %lt3A_204 = arith.cmpi slt, %iota3A_201, %lt3A_203 : vector<16xi32>
        %scatter3A = arith.constant 1 : i32
        %scatter3A_205 = arith.constant 0 : i32
        %scatter3A_206 = arith.constant 0 : i32
        %scatter3A_207 = tpu.memref_slice %arg8[%scatter3A, %scatter3A_205, %scatter3A_206] : memref<2x80x300xf32, #tpu.memory_space<vmem>> -> memref<1x80x300xf32, #tpu.memory_space<vmem>>
        %scatter3A_208 = tpu.memref_squeeze %scatter3A_207 : memref<1x80x300xf32, #tpu.memory_space<vmem>> -> memref<80x300xf32, #tpu.memory_space<vmem>>
        tpu.vector_store_idx %scatter3A_208[%broadcast_in_dim3A, %add3A_200], %get3A_197 masked %lt3A_204 : memref<80x300xf32, #tpu.memory_space<vmem>>[vector<16xi32>, vector<16xi32>], vector<16xf32>, vector<16xi1>
        %scan3A_209 = arith.constant 1 : i32
        %scan3A_210 = arith.addi %scan3A_174, %scan3A_209 : i32
        %get3A_211 = arith.constant 1 : i32
        %get3A_212 = arith.index_cast %get3A_211 : i32 to index
        %get3A_213 = arith.index_cast %scan3A_210 : i32 to index
        %get3A_214 = arith.constant 0 : index
        %get3A_215 = tpu.vector_load %arg7[%get3A_212, %get3A_213, %get3A_214] {strides = array<i32>} : memref<2x80x128xf32, #tpu.memory_space<vmem>>, vector<16xf32>,
        %swap3A_216 = arith.constant 1 : i32
        %swap3A_217 = arith.index_cast %swap3A_216 : i32 to index
        %swap3A_218 = arith.index_cast %scan3A_210 : i32 to index
        %swap3A_219 = arith.constant 256 : index
        %swap3A_220 = tpu.vector_load %arg8[%swap3A_217, %swap3A_218, %swap3A_219] {strides = array<i32>} : memref<2x80x300xf32, #tpu.memory_space<vmem>>, vector<16xf32>,
        tpu.vector_store %arg8[%swap3A_217, %swap3A_218, %swap3A_219], %get3A_215 {strides = array<i32>} : memref<2x80x300xf32, #tpu.memory_space<vmem>>, vector<16xf32>,
        %get3A_221 = arith.constant 1 : i32
        %get3A_222 = arith.index_cast %get3A_221 : i32 to index
        %get3A_223 = arith.index_cast %scan3A_210 : i32 to index
        %get3A_224 = arith.constant 16 : index
        %get3A_225 = tpu.vector_load %arg7[%get3A_222, %get3A_223, %get3A_224] {strides = array<i32>} : memref<2x80x128xf32, #tpu.memory_space<vmem>>, vector<16xf32>,
        %swap3A_226 = arith.constant 1 : i32
        %swap3A_227 = arith.index_cast %swap3A_226 : i32 to index
        %swap3A_228 = arith.index_cast %scan3A_210 : i32 to index
        %swap3A_229 = arith.constant 272 : index
        %swap3A_230 = tpu.vector_load %arg8[%swap3A_227, %swap3A_228, %swap3A_229] {strides = array<i32>} : memref<2x80x300xf32, #tpu.memory_space<vmem>>, vector<16xf32>,
        tpu.vector_store %arg8[%swap3A_227, %swap3A_228, %swap3A_229], %get3A_225 {strides = array<i32>} : memref<2x80x300xf32, #tpu.memory_space<vmem>>, vector<16xf32>,
        %get3A_231 = arith.constant 1 : i32
        %get3A_232 = arith.index_cast %get3A_231 : i32 to index
        %get3A_233 = arith.index_cast %scan3A_210 : i32 to index
        %get3A_234 = arith.constant 32 : index
        %get3A_235 = tpu.vector_load %arg7[%get3A_232, %get3A_233, %get3A_234] {strides = array<i32>} : memref<2x80x128xf32, #tpu.memory_space<vmem>>, vector<16xf32>,
        %broadcast_in_dim3A_236 = vector.broadcast %scan3A_210 : i32 to vector<16xi32>
        %iota3A_237 = tpu.iota {dimensions = array<i32: 0>} : vector<16xi32>
        %add3A_238 = arith.constant 288 : i32
        %add3A_239 = vector.broadcast %add3A_238 : i32 to vector<16xi32>
        %add3A_240 = arith.addi %add3A_239, %iota3A_237 : vector<16xi32>
        %iota3A_241 = tpu.iota {dimensions = array<i32: 0>} : vector<16xi32>
        %lt3A_242 = arith.constant 12 : i32
        %lt3A_243 = vector.broadcast %lt3A_242 : i32 to vector<16xi32>
        %lt3A_244 = arith.cmpi slt, %iota3A_241, %lt3A_243 : vector<16xi32>
        %scatter3A_245 = arith.constant 1 : i32
        %scatter3A_246 = arith.constant 0 : i32
        %scatter3A_247 = arith.constant 0 : i32
        %scatter3A_248 = tpu.memref_slice %arg8[%scatter3A_245, %scatter3A_246, %scatter3A_247] : memref<2x80x300xf32, #tpu.memory_space<vmem>> -> memref<1x80x300xf32, #tpu.memory_space<vmem>>
        %scatter3A_249 = tpu.memref_squeeze %scatter3A_248 : memref<1x80x300xf32, #tpu.memory_space<vmem>> -> memref<80x300xf32, #tpu.memory_space<vmem>>
        tpu.vector_store_idx %scatter3A_249[%broadcast_in_dim3A_236, %add3A_240], %get3A_235 masked %lt3A_244 : memref<80x300xf32, #tpu.memory_space<vmem>>[vector<16xi32>, vector<16xi32>], vector<16xf32>, vector<16xi1>
        %scan3A_250 = arith.constant 2 : i32
        %scan3A_251 = arith.addi %scan3A_174, %scan3A_250 : i32
        %get3A_252 = arith.constant 1 : i32
        %get3A_253 = arith.index_cast %get3A_252 : i32 to index
        %get3A_254 = arith.index_cast %scan3A_251 : i32 to index
        %get3A_255 = arith.constant 0 : index
        %get3A_256 = tpu.vector_load %arg7[%get3A_253, %get3A_254, %get3A_255] {strides = array<i32>} : memref<2x80x128xf32, #tpu.memory_space<vmem>>, vector<16xf32>,
        %swap3A_257 = arith.constant 1 : i32
        %swap3A_258 = arith.index_cast %swap3A_257 : i32 to index
        %swap3A_259 = arith.index_cast %scan3A_251 : i32 to index
        %swap3A_260 = arith.constant 256 : index
        %swap3A_261 = tpu.vector_load %arg8[%swap3A_258, %swap3A_259, %swap3A_260] {strides = array<i32>} : memref<2x80x300xf32, #tpu.memory_space<vmem>>, vector<16xf32>,
        tpu.vector_store %arg8[%swap3A_258, %swap3A_259, %swap3A_260], %get3A_256 {strides = array<i32>} : memref<2x80x300xf32, #tpu.memory_space<vmem>>, vector<16xf32>,
        %get3A_262 = arith.constant 1 : i32
        %get3A_263 = arith.index_cast %get3A_262 : i32 to index
        %get3A_264 = arith.index_cast %scan3A_251 : i32 to index
        %get3A_265 = arith.constant 16 : index
        %get3A_266 = tpu.vector_load %arg7[%get3A_263, %get3A_264, %get3A_265] {strides = array<i32>} : memref<2x80x128xf32, #tpu.memory_space<vmem>>, vector<16xf32>,
        %swap3A_267 = arith.constant 1 : i32
        %swap3A_268 = arith.index_cast %swap3A_267 : i32 to index
        %swap3A_269 = arith.index_cast %scan3A_251 : i32 to index
        %swap3A_270 = arith.constant 272 : index
        %swap3A_271 = tpu.vector_load %arg8[%swap3A_268, %swap3A_269, %swap3A_270] {strides = array<i32>} : memref<2x80x300xf32, #tpu.memory_space<vmem>>, vector<16xf32>,
        tpu.vector_store %arg8[%swap3A_268, %swap3A_269, %swap3A_270], %get3A_266 {strides = array<i32>} : memref<2x80x300xf32, #tpu.memory_space<vmem>>, vector<16xf32>,
        %get3A_272 = arith.constant 1 : i32
        %get3A_273 = arith.index_cast %get3A_272 : i32 to index
        %get3A_274 = arith.index_cast %scan3A_251 : i32 to index
        %get3A_275 = arith.constant 32 : index
        %get3A_276 = tpu.vector_load %arg7[%get3A_273, %get3A_274, %get3A_275] {strides = array<i32>} : memref<2x80x128xf32, #tpu.memory_space<vmem>>, vector<16xf32>,
        %broadcast_in_dim3A_277 = vector.broadcast %scan3A_251 : i32 to vector<16xi32>
        %iota3A_278 = tpu.iota {dimensions = array<i32: 0>} : vector<16xi32>
        %add3A_279 = arith.constant 288 : i32
        %add3A_280 = vector.broadcast %add3A_279 : i32 to vector<16xi32>
        %add3A_281 = arith.addi %add3A_280, %iota3A_278 : vector<16xi32>
        %iota3A_282 = tpu.iota {dimensions = array<i32: 0>} : vector<16xi32>
        %lt3A_283 = arith.constant 12 : i32
        %lt3A_284 = vector.broadcast %lt3A_283 : i32 to vector<16xi32>
        %lt3A_285 = arith.cmpi slt, %iota3A_282, %lt3A_284 : vector<16xi32>
        %scatter3A_286 = arith.constant 1 : i32
        %scatter3A_287 = arith.constant 0 : i32
        %scatter3A_288 = arith.constant 0 : i32
        %scatter3A_289 = tpu.memref_slice %arg8[%scatter3A_286, %scatter3A_287, %scatter3A_288] : memref<2x80x300xf32, #tpu.memory_space<vmem>> -> memref<1x80x300xf32, #tpu.memory_space<vmem>>
        %scatter3A_290 = tpu.memref_squeeze %scatter3A_289 : memref<1x80x300xf32, #tpu.memory_space<vmem>> -> memref<80x300xf32, #tpu.memory_space<vmem>>
        tpu.vector_store_idx %scatter3A_290[%broadcast_in_dim3A_277, %add3A_281], %get3A_276 masked %lt3A_285 : memref<80x300xf32, #tpu.memory_space<vmem>>[vector<16xi32>, vector<16xi32>], vector<16xf32>, vector<16xi1>
        %scan3A_291 = arith.constant 3 : i32
        %scan3A_292 = arith.addi %scan3A_174, %scan3A_291 : i32
        %get3A_293 = arith.constant 1 : i32
        %get3A_294 = arith.index_cast %get3A_293 : i32 to index
        %get3A_295 = arith.index_cast %scan3A_292 : i32 to index
        %get3A_296 = arith.constant 0 : index
        %get3A_297 = tpu.vector_load %arg7[%get3A_294, %get3A_295, %get3A_296] {strides = array<i32>} : memref<2x80x128xf32, #tpu.memory_space<vmem>>, vector<16xf32>,
        %swap3A_298 = arith.constant 1 : i32
        %swap3A_299 = arith.index_cast %swap3A_298 : i32 to index
        %swap3A_300 = arith.index_cast %scan3A_292 : i32 to index
        %swap3A_301 = arith.constant 256 : index
        %swap3A_302 = tpu.vector_load %arg8[%swap3A_299, %swap3A_300, %swap3A_301] {strides = array<i32>} : memref<2x80x300xf32, #tpu.memory_space<vmem>>, vector<16xf32>,
        tpu.vector_store %arg8[%swap3A_299, %swap3A_300, %swap3A_301], %get3A_297 {strides = array<i32>} : memref<2x80x300xf32, #tpu.memory_space<vmem>>, vector<16xf32>,
        %get3A_303 = arith.constant 1 : i32
        %get3A_304 = arith.index_cast %get3A_303 : i32 to index
        %get3A_305 = arith.index_cast %scan3A_292 : i32 to index
        %get3A_306 = arith.constant 16 : index
        %get3A_307 = tpu.vector_load %arg7[%get3A_304, %get3A_305, %get3A_306] {strides = array<i32>} : memref<2x80x128xf32, #tpu.memory_space<vmem>>, vector<16xf32>,
        %swap3A_308 = arith.constant 1 : i32
        %swap3A_309 = arith.index_cast %swap3A_308 : i32 to index
        %swap3A_310 = arith.index_cast %scan3A_292 : i32 to index
        %swap3A_311 = arith.constant 272 : index
        %swap3A_312 = tpu.vector_load %arg8[%swap3A_309, %swap3A_310, %swap3A_311] {strides = array<i32>} : memref<2x80x300xf32, #tpu.memory_space<vmem>>, vector<16xf32>,
        tpu.vector_store %arg8[%swap3A_309, %swap3A_310, %swap3A_311], %get3A_307 {strides = array<i32>} : memref<2x80x300xf32, #tpu.memory_space<vmem>>, vector<16xf32>,
        %get3A_313 = arith.constant 1 : i32
        %get3A_314 = arith.index_cast %get3A_313 : i32 to index
        %get3A_315 = arith.index_cast %scan3A_292 : i32 to index
        %get3A_316 = arith.constant 32 : index
        %get3A_317 = tpu.vector_load %arg7[%get3A_314, %get3A_315, %get3A_316] {strides = array<i32>} : memref<2x80x128xf32, #tpu.memory_space<vmem>>, vector<16xf32>,
        %broadcast_in_dim3A_318 = vector.broadcast %scan3A_292 : i32 to vector<16xi32>
        %iota3A_319 = tpu.iota {dimensions = array<i32: 0>} : vector<16xi32>
        %add3A_320 = arith.constant 288 : i32
        %add3A_321 = vector.broadcast %add3A_320 : i32 to vector<16xi32>
        %add3A_322 = arith.addi %add3A_321, %iota3A_319 : vector<16xi32>
        %iota3A_323 = tpu.iota {dimensions = array<i32: 0>} : vector<16xi32>
        %lt3A_324 = arith.constant 12 : i32
        %lt3A_325 = vector.broadcast %lt3A_324 : i32 to vector<16xi32>
        %lt3A_326 = arith.cmpi slt, %iota3A_323, %lt3A_325 : vector<16xi32>
        %scatter3A_327 = arith.constant 1 : i32
        %scatter3A_328 = arith.constant 0 : i32
        %scatter3A_329 = arith.constant 0 : i32
        %scatter3A_330 = tpu.memref_slice %arg8[%scatter3A_327, %scatter3A_328, %scatter3A_329] : memref<2x80x300xf32, #tpu.memory_space<vmem>> -> memref<1x80x300xf32, #tpu.memory_space<vmem>>
        %scatter3A_331 = tpu.memref_squeeze %scatter3A_330 : memref<1x80x300xf32, #tpu.memory_space<vmem>> -> memref<80x300xf32, #tpu.memory_space<vmem>>
        tpu.vector_store_idx %scatter3A_331[%broadcast_in_dim3A_318, %add3A_322], %get3A_317 masked %lt3A_326 : memref<80x300xf32, #tpu.memory_space<vmem>>[vector<16xi32>, vector<16xi32>], vector<16xf32>, vector<16xi1>
        %scan3A_332 = arith.constant 4 : i32
        %scan3A_333 = arith.addi %scan3A_174, %scan3A_332 : i32
        %get3A_334 = arith.constant 1 : i32
        %get3A_335 = arith.index_cast %get3A_334 : i32 to index
        %get3A_336 = arith.index_cast %scan3A_333 : i32 to index
        %get3A_337 = arith.constant 0 : index
        %get3A_338 = tpu.vector_load %arg7[%get3A_335, %get3A_336, %get3A_337] {strides = array<i32>} : memref<2x80x128xf32, #tpu.memory_space<vmem>>, vector<16xf32>,
        %swap3A_339 = arith.constant 1 : i32
        %swap3A_340 = arith.index_cast %swap3A_339 : i32 to index
        %swap3A_341 = arith.index_cast %scan3A_333 : i32 to index
        %swap3A_342 = arith.constant 256 : index
        %swap3A_343 = tpu.vector_load %arg8[%swap3A_340, %swap3A_341, %swap3A_342] {strides = array<i32>} : memref<2x80x300xf32, #tpu.memory_space<vmem>>, vector<16xf32>,
        tpu.vector_store %arg8[%swap3A_340, %swap3A_341, %swap3A_342], %get3A_338 {strides = array<i32>} : memref<2x80x300xf32, #tpu.memory_space<vmem>>, vector<16xf32>,
        %get3A_344 = arith.constant 1 : i32
        %get3A_345 = arith.index_cast %get3A_344 : i32 to index
        %get3A_346 = arith.index_cast %scan3A_333 : i32 to index
        %get3A_347 = arith.constant 16 : index
        %get3A_348 = tpu.vector_load %arg7[%get3A_345, %get3A_346, %get3A_347] {strides = array<i32>} : memref<2x80x128xf32, #tpu.memory_space<vmem>>, vector<16xf32>,
        %swap3A_349 = arith.constant 1 : i32
        %swap3A_350 = arith.index_cast %swap3A_349 : i32 to index
        %swap3A_351 = arith.index_cast %scan3A_333 : i32 to index
        %swap3A_352 = arith.constant 272 : index
        %swap3A_353 = tpu.vector_load %arg8[%swap3A_350, %swap3A_351, %swap3A_352] {strides = array<i32>} : memref<2x80x300xf32, #tpu.memory_space<vmem>>, vector<16xf32>,
        tpu.vector_store %arg8[%swap3A_350, %swap3A_351, %swap3A_352], %get3A_348 {strides = array<i32>} : memref<2x80x300xf32, #tpu.memory_space<vmem>>, vector<16xf32>,
        %get3A_354 = arith.constant 1 : i32
        %get3A_355 = arith.index_cast %get3A_354 : i32 to index
        %get3A_356 = arith.index_cast %scan3A_333 : i32 to index
        %get3A_357 = arith.constant 32 : index
        %get3A_358 = tpu.vector_load %arg7[%get3A_355, %get3A_356, %get3A_357] {strides = array<i32>} : memref<2x80x128xf32, #tpu.memory_space<vmem>>, vector<16xf32>,
        %broadcast_in_dim3A_359 = vector.broadcast %scan3A_333 : i32 to vector<16xi32>
        %iota3A_360 = tpu.iota {dimensions = array<i32: 0>} : vector<16xi32>
        %add3A_361 = arith.constant 288 : i32
        %add3A_362 = vector.broadcast %add3A_361 : i32 to vector<16xi32>
        %add3A_363 = arith.addi %add3A_362, %iota3A_360 : vector<16xi32>
        %iota3A_364 = tpu.iota {dimensions = array<i32: 0>} : vector<16xi32>
        %lt3A_365 = arith.constant 12 : i32
        %lt3A_366 = vector.broadcast %lt3A_365 : i32 to vector<16xi32>
        %lt3A_367 = arith.cmpi slt, %iota3A_364, %lt3A_366 : vector<16xi32>
        %scatter3A_368 = arith.constant 1 : i32
        %scatter3A_369 = arith.constant 0 : i32
        %scatter3A_370 = arith.constant 0 : i32
        %scatter3A_371 = tpu.memref_slice %arg8[%scatter3A_368, %scatter3A_369, %scatter3A_370] : memref<2x80x300xf32, #tpu.memory_space<vmem>> -> memref<1x80x300xf32, #tpu.memory_space<vmem>>
        %scatter3A_372 = tpu.memref_squeeze %scatter3A_371 : memref<1x80x300xf32, #tpu.memory_space<vmem>> -> memref<80x300xf32, #tpu.memory_space<vmem>>
        tpu.vector_store_idx %scatter3A_372[%broadcast_in_dim3A_359, %add3A_363], %get3A_358 masked %lt3A_367 : memref<80x300xf32, #tpu.memory_space<vmem>>[vector<16xi32>, vector<16xi32>], vector<16xf32>, vector<16xi1>
        %scan3A_373 = arith.constant 5 : i32
        %scan3A_374 = arith.addi %scan3A_174, %scan3A_373 : i32
        %get3A_375 = arith.constant 1 : i32
        %get3A_376 = arith.index_cast %get3A_375 : i32 to index
        %get3A_377 = arith.index_cast %scan3A_374 : i32 to index
        %get3A_378 = arith.constant 0 : index
        %get3A_379 = tpu.vector_load %arg7[%get3A_376, %get3A_377, %get3A_378] {strides = array<i32>} : memref<2x80x128xf32, #tpu.memory_space<vmem>>, vector<16xf32>,
        %swap3A_380 = arith.constant 1 : i32
        %swap3A_381 = arith.index_cast %swap3A_380 : i32 to index
        %swap3A_382 = arith.index_cast %scan3A_374 : i32 to index
        %swap3A_383 = arith.constant 256 : index
        %swap3A_384 = tpu.vector_load %arg8[%swap3A_381, %swap3A_382, %swap3A_383] {strides = array<i32>} : memref<2x80x300xf32, #tpu.memory_space<vmem>>, vector<16xf32>,
        tpu.vector_store %arg8[%swap3A_381, %swap3A_382, %swap3A_383], %get3A_379 {strides = array<i32>} : memref<2x80x300xf32, #tpu.memory_space<vmem>>, vector<16xf32>,
        %get3A_385 = arith.constant 1 : i32
        %get3A_386 = arith.index_cast %get3A_385 : i32 to index
        %get3A_387 = arith.index_cast %scan3A_374 : i32 to index
        %get3A_388 = arith.constant 16 : index
        %get3A_389 = tpu.vector_load %arg7[%get3A_386, %get3A_387, %get3A_388] {strides = array<i32>} : memref<2x80x128xf32, #tpu.memory_space<vmem>>, vector<16xf32>,
        %swap3A_390 = arith.constant 1 : i32
        %swap3A_391 = arith.index_cast %swap3A_390 : i32 to index
        %swap3A_392 = arith.index_cast %scan3A_374 : i32 to index
        %swap3A_393 = arith.constant 272 : index
        %swap3A_394 = tpu.vector_load %arg8[%swap3A_391, %swap3A_392, %swap3A_393] {strides = array<i32>} : memref<2x80x300xf32, #tpu.memory_space<vmem>>, vector<16xf32>,
        tpu.vector_store %arg8[%swap3A_391, %swap3A_392, %swap3A_393], %get3A_389 {strides = array<i32>} : memref<2x80x300xf32, #tpu.memory_space<vmem>>, vector<16xf32>,
        %get3A_395 = arith.constant 1 : i32
        %get3A_396 = arith.index_cast %get3A_395 : i32 to index
        %get3A_397 = arith.index_cast %scan3A_374 : i32 to index
        %get3A_398 = arith.constant 32 : index
        %get3A_399 = tpu.vector_load %arg7[%get3A_396, %get3A_397, %get3A_398] {strides = array<i32>} : memref<2x80x128xf32, #tpu.memory_space<vmem>>, vector<16xf32>,
        %broadcast_in_dim3A_400 = vector.broadcast %scan3A_374 : i32 to vector<16xi32>
        %iota3A_401 = tpu.iota {dimensions = array<i32: 0>} : vector<16xi32>
        %add3A_402 = arith.constant 288 : i32
        %add3A_403 = vector.broadcast %add3A_402 : i32 to vector<16xi32>
        %add3A_404 = arith.addi %add3A_403, %iota3A_401 : vector<16xi32>
        %iota3A_405 = tpu.iota {dimensions = array<i32: 0>} : vector<16xi32>
        %lt3A_406 = arith.constant 12 : i32
        %lt3A_407 = vector.broadcast %lt3A_406 : i32 to vector<16xi32>
        %lt3A_408 = arith.cmpi slt, %iota3A_405, %lt3A_407 : vector<16xi32>
        %scatter3A_409 = arith.constant 1 : i32
        %scatter3A_410 = arith.constant 0 : i32
        %scatter3A_411 = arith.constant 0 : i32
        %scatter3A_412 = tpu.memref_slice %arg8[%scatter3A_409, %scatter3A_410, %scatter3A_411] : memref<2x80x300xf32, #tpu.memory_space<vmem>> -> memref<1x80x300xf32, #tpu.memory_space<vmem>>
        %scatter3A_413 = tpu.memref_squeeze %scatter3A_412 : memref<1x80x300xf32, #tpu.memory_space<vmem>> -> memref<80x300xf32, #tpu.memory_space<vmem>>
        tpu.vector_store_idx %scatter3A_413[%broadcast_in_dim3A_400, %add3A_404], %get3A_399 masked %lt3A_408 : memref<80x300xf32, #tpu.memory_space<vmem>>[vector<16xi32>, vector<16xi32>], vector<16xf32>, vector<16xi1>
        %scan3A_414 = arith.constant 6 : i32
        %scan3A_415 = arith.addi %scan3A_174, %scan3A_414 : i32
        %get3A_416 = arith.constant 1 : i32
        %get3A_417 = arith.index_cast %get3A_416 : i32 to index
        %get3A_418 = arith.index_cast %scan3A_415 : i32 to index
        %get3A_419 = arith.constant 0 : index
        %get3A_420 = tpu.vector_load %arg7[%get3A_417, %get3A_418, %get3A_419] {strides = array<i32>} : memref<2x80x128xf32, #tpu.memory_space<vmem>>, vector<16xf32>,
        %swap3A_421 = arith.constant 1 : i32
        %swap3A_422 = arith.index_cast %swap3A_421 : i32 to index
        %swap3A_423 = arith.index_cast %scan3A_415 : i32 to index
        %swap3A_424 = arith.constant 256 : index
        %swap3A_425 = tpu.vector_load %arg8[%swap3A_422, %swap3A_423, %swap3A_424] {strides = array<i32>} : memref<2x80x300xf32, #tpu.memory_space<vmem>>, vector<16xf32>,
        tpu.vector_store %arg8[%swap3A_422, %swap3A_423, %swap3A_424], %get3A_420 {strides = array<i32>} : memref<2x80x300xf32, #tpu.memory_space<vmem>>, vector<16xf32>,
        %get3A_426 = arith.constant 1 : i32
        %get3A_427 = arith.index_cast %get3A_426 : i32 to index
        %get3A_428 = arith.index_cast %scan3A_415 : i32 to index
        %get3A_429 = arith.constant 16 : index
        %get3A_430 = tpu.vector_load %arg7[%get3A_427, %get3A_428, %get3A_429] {strides = array<i32>} : memref<2x80x128xf32, #tpu.memory_space<vmem>>, vector<16xf32>,
        %swap3A_431 = arith.constant 1 : i32
        %swap3A_432 = arith.index_cast %swap3A_431 : i32 to index
        %swap3A_433 = arith.index_cast %scan3A_415 : i32 to index
        %swap3A_434 = arith.constant 272 : index
        %swap3A_435 = tpu.vector_load %arg8[%swap3A_432, %swap3A_433, %swap3A_434] {strides = array<i32>} : memref<2x80x300xf32, #tpu.memory_space<vmem>>, vector<16xf32>,
        tpu.vector_store %arg8[%swap3A_432, %swap3A_433, %swap3A_434], %get3A_430 {strides = array<i32>} : memref<2x80x300xf32, #tpu.memory_space<vmem>>, vector<16xf32>,
        %get3A_436 = arith.constant 1 : i32
        %get3A_437 = arith.index_cast %get3A_436 : i32 to index
        %get3A_438 = arith.index_cast %scan3A_415 : i32 to index
        %get3A_439 = arith.constant 32 : index
        %get3A_440 = tpu.vector_load %arg7[%get3A_437, %get3A_438, %get3A_439] {strides = array<i32>} : memref<2x80x128xf32, #tpu.memory_space<vmem>>, vector<16xf32>,
        %broadcast_in_dim3A_441 = vector.broadcast %scan3A_415 : i32 to vector<16xi32>
        %iota3A_442 = tpu.iota {dimensions = array<i32: 0>} : vector<16xi32>
        %add3A_443 = arith.constant 288 : i32
        %add3A_444 = vector.broadcast %add3A_443 : i32 to vector<16xi32>
        %add3A_445 = arith.addi %add3A_444, %iota3A_442 : vector<16xi32>
        %iota3A_446 = tpu.iota {dimensions = array<i32: 0>} : vector<16xi32>
        %lt3A_447 = arith.constant 12 : i32
        %lt3A_448 = vector.broadcast %lt3A_447 : i32 to vector<16xi32>
        %lt3A_449 = arith.cmpi slt, %iota3A_446, %lt3A_448 : vector<16xi32>
        %scatter3A_450 = arith.constant 1 : i32
        %scatter3A_451 = arith.constant 0 : i32
        %scatter3A_452 = arith.constant 0 : i32
        %scatter3A_453 = tpu.memref_slice %arg8[%scatter3A_450, %scatter3A_451, %scatter3A_452] : memref<2x80x300xf32, #tpu.memory_space<vmem>> -> memref<1x80x300xf32, #tpu.memory_space<vmem>>
        %scatter3A_454 = tpu.memref_squeeze %scatter3A_453 : memref<1x80x300xf32, #tpu.memory_space<vmem>> -> memref<80x300xf32, #tpu.memory_space<vmem>>
        tpu.vector_store_idx %scatter3A_454[%broadcast_in_dim3A_441, %add3A_445], %get3A_440 masked %lt3A_449 : memref<80x300xf32, #tpu.memory_space<vmem>>[vector<16xi32>, vector<16xi32>], vector<16xf32>, vector<16xi1>
        %scan3A_455 = arith.constant 7 : i32
        %scan3A_456 = arith.addi %scan3A_174, %scan3A_455 : i32
        %get3A_457 = arith.constant 1 : i32
        %get3A_458 = arith.index_cast %get3A_457 : i32 to index
        %get3A_459 = arith.index_cast %scan3A_456 : i32 to index
        %get3A_460 = arith.constant 0 : index
        %get3A_461 = tpu.vector_load %arg7[%get3A_458, %get3A_459, %get3A_460] {strides = array<i32>} : memref<2x80x128xf32, #tpu.memory_space<vmem>>, vector<16xf32>,
        %swap3A_462 = arith.constant 1 : i32
        %swap3A_463 = arith.index_cast %swap3A_462 : i32 to index
        %swap3A_464 = arith.index_cast %scan3A_456 : i32 to index
        %swap3A_465 = arith.constant 256 : index
        %swap3A_466 = tpu.vector_load %arg8[%swap3A_463, %swap3A_464, %swap3A_465] {strides = array<i32>} : memref<2x80x300xf32, #tpu.memory_space<vmem>>, vector<16xf32>,
        tpu.vector_store %arg8[%swap3A_463, %swap3A_464, %swap3A_465], %get3A_461 {strides = array<i32>} : memref<2x80x300xf32, #tpu.memory_space<vmem>>, vector<16xf32>,
        %get3A_467 = arith.constant 1 : i32
        %get3A_468 = arith.index_cast %get3A_467 : i32 to index
        %get3A_469 = arith.index_cast %scan3A_456 : i32 to index
        %get3A_470 = arith.constant 16 : index
        %get3A_471 = tpu.vector_load %arg7[%get3A_468, %get3A_469, %get3A_470] {strides = array<i32>} : memref<2x80x128xf32, #tpu.memory_space<vmem>>, vector<16xf32>,
        %swap3A_472 = arith.constant 1 : i32
        %swap3A_473 = arith.index_cast %swap3A_472 : i32 to index
        %swap3A_474 = arith.index_cast %scan3A_456 : i32 to index
        %swap3A_475 = arith.constant 272 : index
        %swap3A_476 = tpu.vector_load %arg8[%swap3A_473, %swap3A_474, %swap3A_475] {strides = array<i32>} : memref<2x80x300xf32, #tpu.memory_space<vmem>>, vector<16xf32>,
        tpu.vector_store %arg8[%swap3A_473, %swap3A_474, %swap3A_475], %get3A_471 {strides = array<i32>} : memref<2x80x300xf32, #tpu.memory_space<vmem>>, vector<16xf32>,
        %get3A_477 = arith.constant 1 : i32
        %get3A_478 = arith.index_cast %get3A_477 : i32 to index
        %get3A_479 = arith.index_cast %scan3A_456 : i32 to index
        %get3A_480 = arith.constant 32 : index
        %get3A_481 = tpu.vector_load %arg7[%get3A_478, %get3A_479, %get3A_480] {strides = array<i32>} : memref<2x80x128xf32, #tpu.memory_space<vmem>>, vector<16xf32>,
        %broadcast_in_dim3A_482 = vector.broadcast %scan3A_456 : i32 to vector<16xi32>
        %iota3A_483 = tpu.iota {dimensions = array<i32: 0>} : vector<16xi32>
        %add3A_484 = arith.constant 288 : i32
        %add3A_485 = vector.broadcast %add3A_484 : i32 to vector<16xi32>
        %add3A_486 = arith.addi %add3A_485, %iota3A_483 : vector<16xi32>
        %iota3A_487 = tpu.iota {dimensions = array<i32: 0>} : vector<16xi32>
        %lt3A_488 = arith.constant 12 : i32
        %lt3A_489 = vector.broadcast %lt3A_488 : i32 to vector<16xi32>
        %lt3A_490 = arith.cmpi slt, %iota3A_487, %lt3A_489 : vector<16xi32>
        %scatter3A_491 = arith.constant 1 : i32
        %scatter3A_492 = arith.constant 0 : i32
        %scatter3A_493 = arith.constant 0 : i32
        %scatter3A_494 = tpu.memref_slice %arg8[%scatter3A_491, %scatter3A_492, %scatter3A_493] : memref<2x80x300xf32, #tpu.memory_space<vmem>> -> memref<1x80x300xf32, #tpu.memory_space<vmem>>
        %scatter3A_495 = tpu.memref_squeeze %scatter3A_494 : memref<1x80x300xf32, #tpu.memory_space<vmem>> -> memref<80x300xf32, #tpu.memory_space<vmem>>
        tpu.vector_store_idx %scatter3A_495[%broadcast_in_dim3A_482, %add3A_486], %get3A_481 masked %lt3A_490 : memref<80x300xf32, #tpu.memory_space<vmem>>[vector<16xi32>, vector<16xi32>], vector<16xf32>, vector<16xi1>
      }
      %scan3A_143 = arith.constant 80 : i32
      %dma_wait3A_144 = arith.constant 1 : i32
      %dma_wait3A_145 = arith.constant 0 : i32
      %dma_wait3A_146 = arith.constant 0 : i32
      %dma_wait3A_147 = tpu.memref_slice %arg8[%dma_wait3A_144, %dma_wait3A_145, %dma_wait3A_146] : memref<2x80x300xf32, #tpu.memory_space<vmem>> -> memref<1x80x256xf32, #tpu.memory_space<vmem>>
      %dma_wait3A_148 = tpu.memref_squeeze %dma_wait3A_147 : memref<1x80x256xf32, #tpu.memory_space<vmem>> -> memref<80x256xf32, #tpu.memory_space<vmem>>
      %dma_wait3A_149 = arith.constant 0 : i32
      %dma_wait3A_150 = tpu.memref_slice %arg6[%add3A_120, %dma_wait3A_149] : memref<320x80xi32, #tpu.memory_space<vmem>> -> memref<1x80xi32, #tpu.memory_space<vmem>>
      %dma_wait3A_151 = tpu.memref_squeeze %dma_wait3A_150 : memref<1x80xi32, #tpu.memory_space<vmem>> -> memref<80xi32, #tpu.memory_space<vmem>>
      %dma_wait3A_152 = arith.constant 0 : i32
      %dma_wait3A_153 = arith.constant 0 : i32
      %dma_wait3A_154 = tpu.memref_slice %arg3[%dma_wait3A_152, %dma_wait3A_153] : memref<100000x300xf32, #tpu.memory_space<hbm>> -> memref<100000x256xf32, #tpu.memory_space<hbm>>
      %dma_wait3A_155 = arith.constant 0 : i32
      %dma_wait3A_156 = arith.constant 0 : i32
      %dma_wait3A_157 = tpu.memref_slice %dma_wait3A_154[%dma_wait3A_155, %dma_wait3A_156] : memref<100000x256xf32, #tpu.memory_space<hbm>> -> memref<100000x256xf32, #tpu.memory_space<hbm>>
      tpu.wait_indirect_dma semaphore(%arg10 : memref<!tpu.dma_semaphore, #tpu.memory_space<semaphore_mem>>) src(%dma_wait3A_157 : memref<100000x256xf32, #tpu.memory_space<hbm>>) dst(%dma_wait3A_148 : memref<80x256xf32, #tpu.memory_space<vmem>>)
      %mul3A_158 = arith.constant 80 : i32
      %mul3A_159 = arith.muli %add3A_120, %mul3A_158 : i32
      %add3A_160 = arith.addi %mul3A_2, %mul3A_159 : i32
      %dma_start3A_161 = arith.constant 1 : i32
      %dma_start3A_162 = arith.constant 0 : i32
      %dma_start3A_163 = arith.constant 0 : i32
      %dma_start3A_164 = tpu.memref_slice %arg8[%dma_start3A_161, %dma_start3A_162, %dma_start3A_163] : memref<2x80x300xf32, #tpu.memory_space<vmem>> -> memref<1x80x300xf32, #tpu.memory_space<vmem>>
      %dma_start3A_165 = tpu.memref_squeeze %dma_start3A_164 : memref<1x80x300xf32, #tpu.memory_space<vmem>> -> memref<80x300xf32, #tpu.memory_space<vmem>>
      %dma_start3A_166 = arith.constant 0 : i32
      %dma_start3A_167 = tpu.memref_slice %arg5[%add3A_160, %dma_start3A_166] : memref<819200x300xf32, #tpu.memory_space<hbm>> -> memref<80x300xf32, #tpu.memory_space<hbm>>
      %dma_start3A_168 = arith.constant 0 : i32
      %dma_start3A_169 = tpu.memref_slice %arg5[%add3A_160, %dma_start3A_168] : memref<819200x300xf32, #tpu.memory_space<hbm>> -> memref<80x300xf32, #tpu.memory_space<hbm>>
      %dma_start3A_170 = arith.constant 0 : i32
      %dma_start3A_171 = arith.constant 0 : i32
      %dma_start3A_172 = tpu.memref_slice %arg8[%dma_start3A_161, %dma_start3A_170, %dma_start3A_171] : memref<2x80x300xf32, #tpu.memory_space<vmem>> -> memref<1x80x300xf32, #tpu.memory_space<vmem>>
      %dma_start3A_173 = tpu.memref_squeeze %dma_start3A_172 : memref<1x80x300xf32, #tpu.memory_space<vmem>> -> memref<80x300xf32, #tpu.memory_space<vmem>>
      tpu.enqueue_dma source(%dma_start3A_173 : memref<80x300xf32, #tpu.memory_space<vmem>>) target(%dma_start3A_169 : memref<80x300xf32, #tpu.memory_space<hbm>>) target_semaphore(%arg14 : memref<!tpu.dma_semaphore, #tpu.memory_space<semaphore_mem>>)
    }
    %scan3A_32 = arith.constant 160 : i32
    %add3A_33 = arith.constant 25440 : i32
    %add3A_34 = arith.addi %mul3A_2, %add3A_33 : i32
    %dma_wait3A = arith.constant 0 : i32
    %dma_wait3A_35 = arith.constant 0 : i32
    %dma_wait3A_36 = arith.constant 0 : i32
    %dma_wait3A_37 = tpu.memref_slice %arg8[%dma_wait3A, %dma_wait3A_35, %dma_wait3A_36] : memref<2x80x300xf32, #tpu.memory_space<vmem>> -> memref<1x80x300xf32, #tpu.memory_space<vmem>>
    %dma_wait3A_38 = tpu.memref_squeeze %dma_wait3A_37 : memref<1x80x300xf32, #tpu.memory_space<vmem>> -> memref<80x300xf32, #tpu.memory_space<vmem>>
    %dma_wait3A_39 = arith.constant 0 : i32
    %dma_wait3A_40 = tpu.memref_slice %arg5[%add3A_34, %dma_wait3A_39] : memref<819200x300xf32, #tpu.memory_space<hbm>> -> memref<80x300xf32, #tpu.memory_space<hbm>>
    %dma_wait3A_41 = arith.constant 0 : i32
    %dma_wait3A_42 = tpu.memref_slice %arg5[%add3A_34, %dma_wait3A_41] : memref<819200x300xf32, #tpu.memory_space<hbm>> -> memref<80x300xf32, #tpu.memory_space<hbm>>
    %dma_wait3A_43 = arith.constant 0 : i32
    %dma_wait3A_44 = arith.constant 0 : i32
    %dma_wait3A_45 = tpu.memref_slice %arg8[%dma_wait3A, %dma_wait3A_43, %dma_wait3A_44] : memref<2x80x300xf32, #tpu.memory_space<vmem>> -> memref<1x80x300xf32, #tpu.memory_space<vmem>>
    %dma_wait3A_46 = tpu.memref_squeeze %dma_wait3A_45 : memref<1x80x300xf32, #tpu.memory_space<vmem>> -> memref<80x300xf32, #tpu.memory_space<vmem>>
    tpu.wait_dma2 semaphore(%arg13 : memref<!tpu.dma_semaphore, #tpu.memory_space<semaphore_mem>>) src(%dma_wait3A_46 : memref<80x300xf32, #tpu.memory_space<vmem>>) dst(%dma_wait3A_42 : memref<80x300xf32, #tpu.memory_space<hbm>>)
    %add3A_47 = arith.constant 25520 : i32
    %add3A_48 = arith.addi %mul3A_2, %add3A_47 : i32
    %dma_wait3A_49 = arith.constant 1 : i32
    %dma_wait3A_50 = arith.constant 0 : i32
    %dma_wait3A_51 = arith.constant 0 : i32
    %dma_wait3A_52 = tpu.memref_slice %arg8[%dma_wait3A_49, %dma_wait3A_50, %dma_wait3A_51] : memref<2x80x300xf32, #tpu.memory_space<vmem>> -> memref<1x80x300xf32, #tpu.memory_space<vmem>>
    %dma_wait3A_53 = tpu.memref_squeeze %dma_wait3A_52 : memref<1x80x300xf32, #tpu.memory_space<vmem>> -> memref<80x300xf32, #tpu.memory_space<vmem>>
    %dma_wait3A_54 = arith.constant 0 : i32
    %dma_wait3A_55 = tpu.memref_slice %arg5[%add3A_48, %dma_wait3A_54] : memref<819200x300xf32, #tpu.memory_space<hbm>> -> memref<80x300xf32, #tpu.memory_space<hbm>>
    %dma_wait3A_56 = arith.constant 0 : i32
    %dma_wait3A_57 = tpu.memref_slice %arg5[%add3A_48, %dma_wait3A_56] : memref<819200x300xf32, #tpu.memory_space<hbm>> -> memref<80x300xf32, #tpu.memory_space<hbm>>
    %dma_wait3A_58 = arith.constant 0 : i32
    %dma_wait3A_59 = arith.constant 0 : i32
    %dma_wait3A_60 = tpu.memref_slice %arg8[%dma_wait3A_49, %dma_wait3A_58, %dma_wait3A_59] : memref<2x80x300xf32, #tpu.memory_space<vmem>> -> memref<1x80x300xf32, #tpu.memory_space<vmem>>
    %dma_wait3A_61 = tpu.memref_squeeze %dma_wait3A_60 : memref<1x80x300xf32, #tpu.memory_space<vmem>> -> memref<80x300xf32, #tpu.memory_space<vmem>>
    tpu.wait_dma2 semaphore(%arg14 : memref<!tpu.dma_semaphore, #tpu.memory_space<semaphore_mem>>) src(%dma_wait3A_61 : memref<80x300xf32, #tpu.memory_space<vmem>>) dst(%dma_wait3A_57 : memref<80x300xf32, #tpu.memory_space<hbm>>)
    return
  }
}

</mosaic_0001>

<sc_bundles>
// kernel: kernel.3.cloned.1.call-start
scs
__scs_entry_jumppad:
0x0: {  	(pc) =	sbr.rel $0x88, $3  }
0x1: {  	(tag) =	ssettag $0x0;
	lr =	simm.s32 $0x1  }
0x2: {  	[smem:$0x3F9F] =	sst lr;
	_ =	strace $0xD0000000  }
0x3: {  	_ = 	snop  }
0x4: {  	_ = 	snop  }
0x5: {  	_ = 	snop  }
0x6: {  	_ = 	snop  }
0x7: {  	_ = 	snop  }
__scs_overlays_trampoline_lowered:
0x8: {  	[smem:$0x3FAE] =	sst s0  }
0x9: {  	[smem:$0x3FAF] =	sst s1  }
0xa: {  	[smem:$0x3FB0] =	sst s2  }
0xb: {  	[smem:$0x3FB1] =	sst s3  }
0xc: {  	[smem:$0x3FB2] =	sst s4  }
0xd: {  	[smem:$0x3FB3] =	sst s5  }
0xe: {  	[smem:$0x3FB4] =	sst s6  }
0xf: {  	[smem:$0x3FB5] =	sst s7  }
0x10: {  	[smem:$0x3FB6] =	sst s8  }
0x11: {  	[smem:$0x3FB7] =	sst s9;
	s0 =	simm.s32 @!p0 $0x0  }
0x12: {  	s1 =	sld [smem:$0x3F9D];
	s0 =	simm.s32 @p0 $0x1  }
0x13: {  	[smem:$0x3FB8] =	sst s0;
	s0 =	simm.s32 @!p1 $0x0  }
0x14: {  	s2 =	sld [smem:$0x3F9C];
	s0 =	simm.s32 @p1 $0x1  }
0x15: {  	[smem:$0x3FB9] =	sst s0;
	s0 =	simm.s32 @!p2 $0x0  }
0x16: {  	s3 =	sld [smem:$0x3FDB];
	s0 =	simm.s32 @p2 $0x1  }
0x17: {  	s4 =	simm.s32 $0x1BF5;
	[smem:$0x3FBB] =	sst s0  }
0x18: {  	s0 =	sld [smem:$0x3F9E];
	_ =	swait.ge [sflag:s4], $0x0  }
0x19: {  	s7 =	sld [smem:$0x3F9F]  }
0x1a: {  	s8 =	sadd.s32 $0xFFFFE003, lr  }
0x1b: {  	s9 =	sadd.s32 $0xFFFFFEF7, lr;
	s5 =	simm.s32 $0xFFFFFFFF;
	p2 =	slt.u32 s8, $0xFFFFF086  }
0x1c: {  	p1 =	slt.u32 s9, $0xF7A;
	s5 =	simm.s32 @!p2 $0x0  }
0x1d: {  	s5 =	simm.s32 @p1 $0x1;
	p0 =	seq.s32 s7, s2  }
0x1e: {  	s7 =	smul.u32 @!p0 $0xF7A, s2;
	p2 =	seq.s32 @!p0 s5, $0x0  }
0x1f: {  	s9 =	smul.u32 $0xF7A, s1;
	s8 =	simm.s32 @!p0 $0x1BF5;
	p2 =	por !p2, p0  }
0x20: {  	[sflag:s8] =	ssyncset.s32 @!p0 $0xFFFFF086;
	s6 =	sadd.s32 @!p0 s3, s7;
	s7 =	simm.s32 @!p0 $0x108  }
0x21: {  	s3 =	sadd.s32 s3, s9;
	s6 =	sadd.s32 @!p0 $0x88, s6;
	s7 =	simm.s32 @p2 $0x1082  }
0x22: {  	[simem:s7], [sflag:s8] =	dma.local @!p0 [hbm:s6], $0xF7A  }
0x23: {  	s9 =	sor.u32 $0xD0000000, s2;
	s6 =	simm.s32 $0x108;
	_ =	swait.ge @!p0 [sflag:s8], $0x0  }
0x24: {  	s3 =	sadd.s32 $0x88, s3;
	s6 =	simm.s32 @!p1 $0x1082;
	[sflag:s4] =	ssyncset.s32 $0xFFFFF086  }
0x25: {  	[simem:s6], [sflag:s4] =	dma.local [hbm:s3], $0xF7A  }
0x26: {  	[smem:$0x3F9F] =	sst s1;
	(tag) =	ssettag s2;
	_ =	strace s9  }
0x27: {  	s1 =	sld [smem:$0x3FAF]  }
0x28: {  	s2 =	sld [smem:$0x3FB0]  }
0x29: {  	s4 =	sld [smem:$0x3FB2]  }
0x2a: {  	p0 =	seq.s32 s5, $0x0;
	s5 =	sld [smem:$0x3FB3]  }
0x2b: {  	s6 =	sld [smem:$0x3FB4]  }
0x2c: {  	s7 =	sld [smem:$0x3FB5]  }
0x2d: {  	s3 =	simm.s32 $0x108;
	s8 =	sld [smem:$0x3FB6]  }
0x2e: {  	s3 =	simm.s32 @!p0 $0x1082;
	s9 =	sld [smem:$0x3FB7]  }
0x2f: {  	lr =	sadd.s32 s0, s3;
	s0 =	sld [smem:$0x3FAE]  }
0x30: {  	s3 =	sld [smem:$0x3FB1]  }
0x31: {  	[smem:$0x3FBA] =	sst s10  }
0x32: {  	s10 =	sld [smem:$0x3FB8];
	_ =	sdelay $0x3  }
0x33: {  	p0 =	seq.s32 s10, $0x1;
	s10 =	sld [smem:$0x3FBA];
	_ =	sdelay $0x3  }
0x34: {  	[smem:$0x3FBA] =	sst s10  }
0x35: {  	s10 =	sld [smem:$0x3FB9];
	_ =	sdelay $0x3  }
0x36: {  	p1 =	seq.s32 s10, $0x1;
	s10 =	sld [smem:$0x3FBA];
	_ =	sdelay $0x3  }
0x37: {  	[smem:$0x3FBA] =	sst s10  }
0x38: {  	s10 =	sld [smem:$0x3FBB]  }
0x39: {  	_ = 	snop;
	(pc) =	sbr.ind lr, $3  }
0x3a: {  	_ = 	snop  }
0x3b: {  	_ = 	snop  }
0x3c: {  	p2 =	seq.s32 s10, $0x1;
	s10 =	sld [smem:$0x3FBA]  }
0x3d: {  	_ =	shalt  }
0x3e: {  	_ =	shalt  }
0x3f: {  	_ =	shalt  }
0x40: {  	_ =	shalt  }
0x41: {  	_ =	shalt  }
0x42: {  	_ =	shalt  }
0x43: {  	_ =	shalt  }
0x44: {  	_ =	shalt  }
0x45: {  	_ =	shalt  }
0x46: {  	_ =	shalt  }
0x47: {  	_ =	shalt  }
0x48: {  	_ =	shalt  }
0x49: {  	_ =	shalt  }
0x4a: {  	_ =	shalt  }
0x4b: {  	_ =	shalt  }
0x4c: {  	_ =	shalt  }
0x4d: {  	_ =	shalt  }
0x4e: {  	_ =	shalt  }
0x4f: {  	_ =	shalt  }
0x50: {  	_ =	shalt  }
0x51: {  	_ =	shalt  }
0x52: {  	_ =	shalt  }
0x53: {  	_ =	shalt  }
0x54: {  	_ =	shalt  }
0x55: {  	_ =	shalt  }
0x56: {  	_ =	shalt  }
0x57: {  	_ =	shalt  }
0x58: {  	_ =	shalt  }
0x59: {  	_ =	shalt  }
0x5a: {  	_ =	shalt  }
0x5b: {  	_ =	shalt  }
0x5c: {  	_ =	shalt  }
0x5d: {  	_ =	shalt  }
0x5e: {  	_ =	shalt  }
0x5f: {  	_ =	shalt  }
0x60: {  	_ =	shalt  }
0x61: {  	_ =	shalt  }
0x62: {  	_ =	shalt  }
0x63: {  	_ =	shalt  }
0x64: {  	_ =	shalt  }
0x65: {  	_ =	shalt  }
0x66: {  	_ =	shalt  }
0x67: {  	_ =	shalt  }
0x68: {  	_ =	shalt  }
0x69: {  	_ =	shalt  }
0x6a: {  	_ =	shalt  }
0x6b: {  	_ =	shalt  }
0x6c: {  	_ =	shalt  }
0x6d: {  	_ =	shalt  }
0x6e: {  	_ =	shalt  }
0x6f: {  	_ =	shalt  }
0x70: {  	_ =	shalt  }
0x71: {  	_ =	shalt  }
0x72: {  	_ =	shalt  }
0x73: {  	_ =	shalt  }
0x74: {  	_ =	shalt  }
0x75: {  	_ =	shalt  }
0x76: {  	_ =	shalt  }
0x77: {  	_ =	shalt  }
0x78: {  	_ =	shalt  }
0x79: {  	_ =	shalt  }
0x7a: {  	_ =	shalt  }
0x7b: {  	_ =	shalt  }
0x7c: {  	_ =	shalt  }
0x7d: {  	_ =	shalt  }
0x7e: {  	_ =	shalt  }
0x7f: {  	_ =	shalt  }
0x80: {  	_ =	shalt  }
0x81: {  	_ =	shalt  }
0x82: {  	_ =	shalt  }
0x83: {  	_ =	shalt  }
0x84: {  	_ =	shalt  }
0x85: {  	_ =	shalt  }
0x86: {  	_ =	shalt  }
0x87: {  	_ =	shalt  }
.Lfunc_end0:
.L_simem_size_0:
called_computation.1_lowered:
.L_overlay_start_0:
0x88: {  	s2 =	sld [smem:$0x3FD9]  }
0x89: {  	s3 =	sld [smem:$0x3FFE];
	_ =	sdelay $0x1  }
0x8a: {  	s1 =	srdreg.scid  }
0x8b: {  	s0 =	sand.u32 $0x1, s1  }
0x8c: {  	s14 =	sshll.u32 s0, $0xA;
	s2 =	sadd.s32 s3, s2  }
0x8d: {  	s2 =	sadd.s32 s2, s14  }
0x8e: {  	[smem:$0x3FC6] =	sst s2  }
0x8f: {  	_ = 	snop  }
0x90: {  	s2 =	sld [smem:$0x3FD0];
	_ =	sdelay $0x2  }
0x91: {  	s15 =	simm.s32 $0xA;
	s4 =	simm.s32 $0x10  }
0x92: {  	[smem:s4], [sflag:s15] =	dma.local [hbm:s2], $0x1  }
0x93: {  	_ =	swait.eq [sflag:s15], $0x1  }
0x94: {  	[sflag:s15] =	ssyncset.done $0x0  }
0x95: {  	[sflag:s15] =	ssyncadd.s32 $0xFFFFFFFF  }
0x96: {  	s16 =	sld [smem:$0x10];
	(tm) =	ssettm $0x1  }
0x97: {  	s17 =	sld [smem:$0x3FFB];
	_ =	sdelay $0x3  }
0x98: {  	_ =	strace s17  }
0x99: {  	s3 =	sld [smem:$0x3FFC];
	_ =	sdelay $0x3  }
0x9a: {  	_ =	strace s3  }
0x9b: {  	s3 =	sld [smem:$0x3FFD];
	_ =	sdelay $0x3  }
0x9c: {  	_ =	strace s3  }
0x9d: {  	_ =	strace $0x8FFFFFFF  }
0x9e: {  	s18 =	sld [smem:$0x3FDB];
	_ =	sdelay $0x1  }
0x9f: {  	s19 =	simm.s32 $_scs_section_size  }
0xa0: {  	s5 =	simm.s32 $_size__tile_overlayer_lowered;
	s6 =	simm.s32 $_tile_overlayer_lowered  }
0xa1: {  	s22 =	simm.s32 $0x1BFF;
	s21 =	sshll.u32 s6, $0x1;
	s3 =	sadd.s32 s19, s18  }
0xa2: {  	s7 =	simm.s32 $0x0;
	s20 =	sshll.u32 s5, $0x1;
	s5 =	sadd.s32 s21, s3  }
0xa3: {  	[timem:s7], [sflag:s22] =	dma.local [hbm:s5], s20  }
0xa4: {  	_ =	swait.ge [sflag:s22], s20  }
0xa5: {  	s4 =	ssub.s32 $0x0, s20;
	[sflag:s22] =	ssyncset.done $0x0  }
0xa6: {  	[sflag:s22] =	ssyncadd.s32 s4;
	_ =	sdelay $0x1  }
0xa7: {  	s23 =	simm.s32 $0x1B8B  }
0xa8: {  	_ =	swait.ge [sflag:s23], $0x1  }
0xa9: {  	[sflag:s23] =	ssyncset.done $0x0  }
0xaa: {  	s25 =	simm.s32 $0x1B8E;
	s24 =	sld [smem:$0x3FFE];
	[sflag:s23] =	ssyncadd.s32 $0xFFFFFFFF  }
0xab: {  	s26 =	simm.s32 $execute0_lowered;
	[smem:$0x3FD2] =	sst s25  }
0xac: {  	s5 =	sshll.u32 s26, $0x1;
	_ =	strace $0x80000046;
	[dreg:$0x1] =	wrdreg $0xFFFFFFFF  }
0xad: {  	s28 =	simm.s32 $_size_execute0_lowered;
	s3 =	sadd.s32 s3, s5;
	[dreg:$0x0] =	wrdreg $0x0  }
0xae: {  	s5 =	sshll.u32 s28, $0x1;
	[dreg:$0x2] =	wrdreg s3  }
0xaf: {  	[dreg:$0x3] =	wrdreg s5  }
0xb0: {  	[dreg:$0x4] =	wrdreg $0xC0  }
0xb1: {  	_ =	task [dreg:s7], $0x5FFFF  }
0xb2: {  	[dreg:$0x1] =	wrdreg $0xFFFFFFFF  }
0xb3: {  	[dreg:$0x0] =	wrdreg $0x60  }
0xb4: {  	[dreg:$0x2] =	wrdreg s24  }
0xb5: {  	[dreg:$0x3] =	wrdreg s16  }
0xb6: {  	[dreg:$0x4] =	wrdreg $0x9  }
0xb7: {  	_ =	task.clear_ibuf [dreg:s7], $0x5FFFF;
	_ =	strace $0x90000046  }
0xb8: {  	s29 =	simm.s32 $0x9;
	_ =	strace $0x80000048  }
0xb9: {  	_ =	swait.ge [sflag:s29], $0x1  }
0xba: {  	[sflag:s29] =	ssyncadd.s32 $0xFFFFFFFF  }
0xbb: {  	_ =	strace $0x90000048  }
0xbc: {  	_ =	sfence  }
0xbd: {  	s30 =	sld [smem:$0x0];
	_ =	sdelay $0x2  }
0xbe: {  	s31 =	sshll.u32 s1, $0xD;
	s1 =	sshrl.u32 s1, $0x2  }
0xbf: {  	s3 =	sand.u32 $0x4000, s31;
	s1 =	sadd.s32 s1, s30  }
0xc0: {  	s0 =	sor.u32 s3, s0;
	s1 =	sshll.u32 s1, $0x11  }
0xc1: {  	s0 =	sor.u32 s1, s0  }
0xc2: {  	s0 =	sadd.s32 $0x8F2B, s0  }
0xc3: {  	[sflag:s0] =	ssyncadd.remote.s32 $0x1  }
0xc4: {  	_ =	sfence.sel $0xFFFF  }
0xc5: {  	[dreg:$0x0] =	wrdreg $0xFFFFFFFF;
	(pc) =	sbr.abs _section_cstart, $3  }
0xc6: {  	[dreg:$0x1] =	wrdreg $0xFFFFFFFF  }
0xc7: {  	_ =	task.clear_ibuf [dreg:s7], $0x2FFFF;
	_ =	strace $0x9FFFFFFF  }
0xc8: {  	(tm) =	ssettm $0x7FFFFFFF  }
0xc9: {  	_ =	shalt  }
tec
execute0_lowered:
.L_overlay_start_1:
0x0: {  	(tag) =	ssettag $0x1  }
0x1: {  	s0 =	rddreg [dreg:$0x0]  }
0x2: {  	s1 =	srdreg.scid;
	s3 =	stileid.u32  }
0x3: {  	s2 =	rddreg [dreg:$0x1];
	s10 =	simm.s32 $0x50;
	s12 =	simm.s32 $0xF000  }
0x4: {  	s21 =	simm.s32 $0x15C00;
	s22 =	simm.s32 $0xC800;
	s23 =	simm.s32 $0x16800  }
0x5: {  	s24 =	simm.s32 $0x17400;
	s28 =	simm.s32 $0x19800;
	s29 =	simm.s32 $0x1A400  }
0x6: {  	s30 =	simm.s32 $0x1B000;
	s31 =	simm.s32 $0x1BC00;
	s9 =	simm.s32 $0x4  }
0x7: {  	s11 =	simm.s32 $0x2;
	s13 =	simm.s32 $0x5;
	s16 =	simm.s32 $0x0  }
0x8: {  	s1 =	sand.u32 $0x1, s1;
	s4 =	sshll.u32 s3, $0x1;
	s3 =	simm.s32 $0x0  }
0x9: {  	s5 =	sadd.s32 $0x335E00, s0;
	s6 =	sor.u32 s1, s4;
	s1 =	ssub.s32 $0x2, s1  }
0xa: {  	[smem:$0x7FF] =	sst s3;
	s4 =	smul.u32 $0x1400, s6;
	s8 =	sshrl.u32 s1, $0x1  }
0xb: {  	_ =	strace $0x80000047;
	s6 =	smul.u32 $0x6400, s6;
	s25 =	ssub.s32 s1, s8  }
0xc: {  	s1 =	simm.s32 $0x1C800;
	s8 =	simm.s32 $0x1;
	s7 =	sadd.s32 s4, s0  }
0xd: {  	v3 =	vlaneseq.u32;
	s4 =	sadd.s32 $0x1AF400, s0;
	s0 =	smax.u32 s25, $0x1;
	s25 =	simm.s32 $0x18000  }
0xe: {  	vm0 =	vmmov $0xffff;
	v1 =	vshrl.u32 v3, $0x3;
	v0 =	vand.u32 $0x7, v3;
	s26 =	sadd.s32 $0x187400, s7;
	[dreg:$0x4] =	wrdreg s0;
	s0 =	simm.s32 $0x1D400  }
0xf: {  	v2 =	vor.u32 $0x8, v3;
	v3 =	vor.u32 $0x20, v3;
	v1 =	vmul.u32 $0x8, v1;
	s7 =	simm.s32 $0x3;
	[dreg:$0x3] =	wrdreg s26;
	s26 =	simm.s32 $0x18C00  }
.LBB2_1:
0x10: {  	[dreg:$0x5] =	wrdreg s16  }
0x11: {  	s14 =	rddreg [dreg:$0x3];
	s17 =	simm.s32 $0x7  }
0x12: {  	[tilespmem:s3], [sflag:$0x7] =	stream.linear.gather [hbm4b:s14+s3], $0xA000, $0x38;
	[tilespmem:$0x1E000] =	vst v63  }
0x13: {  	_ =	swait.ge [sflag:s17], $0xA000  }
0x14: {  	[sflag:s17] =	ssyncset.done $0x0  }
0x15: {  	s18 =	simm.s32 $0xA000;
	[sflag:s17] =	ssyncadd.s32 $0xFFFF6000  }
0x16: {  	[tilespmem:s18], [sflag:$0x3] =	stream.indirect.gather [hbm4b:s4+s10], $0x80, s3, s10, $0xb8;
	[tilespmem:$0x1E000] =	vst v63  }
0x17: {  	v4 =	vld [tilespmem:$0x0];
	_ =	sdelay $0x4  }
0x18: {  	v5 =	vshrl.u32 v4, $0x3  }
0x19: {  	v5 =	vmul.u32 $0x18, v5  }
0x1a: {  	v4 =	vand.u32 $0x7, v4  }
0x1b: {  	v4 =	vor.u32 v4, v5  }
0x1c: {  	v5 =	vperm.xlane v4, v0;
	_ =	sdelay $0x1  }
0x1d: {  	v4 =	vperm.xlane v4, v2;
	v5 =	vadd.s32 v1, v5;
	_ =	sdelay $0x1  }
0x1e: {  	v4 =	vadd.s32 v1, v4;
	_ =	sdelay $0x2  }
0x1f: {  	[tilespmem:s12], [sflag:$0x1] =	stream.indirect_vreg.gather [hbm4b:s2+s3], $0x80, v5, vm0, $0xb8;
	[tilespmem:$0x1E000] =	vst v63  }
0x20: {  	s19 =	simm.s32 $0xFC00  }
0x21: {  	[tilespmem:s19], [sflag:$0x1] =	stream.indirect_vreg.gather [hbm4b:s2+s3], $0x80, v4, vm0, $0xb8;
	[tilespmem:$0x1E000] =	vst v63  }
0x22: {  	v4 =	vld [tilespmem:$0x10];
	_ =	sdelay $0x4  }
0x23: {  	v5 =	vshrl.u32 v4, $0x3  }
0x24: {  	v5 =	vmul.u32 $0x18, v5  }
0x25: {  	v4 =	vand.u32 $0x7, v4  }
0x26: {  	v4 =	vor.u32 v4, v5  }
0x27: {  	v5 =	vperm.xlane v4, v0;
	_ =	sdelay $0x1  }
0x28: {  	v4 =	vperm.xlane v4, v2;
	v5 =	vadd.s32 v1, v5;
	_ =	sdelay $0x1  }
0x29: {  	v4 =	vadd.s32 v1, v4;
	_ =	sdelay $0x1  }
0x2a: {  	s20 =	simm.s32 $0x10800  }
0x2b: {  	[tilespmem:s20], [sflag:$0x1] =	stream.indirect_vreg.gather [hbm4b:s2+s3], $0x80, v5, vm0, $0xb8;
	[tilespmem:$0x1E000] =	vst v63  }
0x2c: {  	s15 =	simm.s32 $0x11400  }
0x2d: {  	[tilespmem:s15], [sflag:$0x1] =	stream.indirect_vreg.gather [hbm4b:s2+s3], $0x80, v4, vm0, $0xb8;
	[tilespmem:$0x1E000] =	vst v63  }
0x2e: {  	v4 =	vld [tilespmem:$0x20];
	_ =	sdelay $0x4  }
0x2f: {  	v5 =	vshrl.u32 v4, $0x3  }
0x30: {  	v5 =	vmul.u32 $0x18, v5  }
0x31: {  	v4 =	vand.u32 $0x7, v4  }
0x32: {  	v4 =	vor.u32 v4, v5  }
0x33: {  	v5 =	vperm.xlane v4, v0;
	_ =	sdelay $0x1  }
0x34: {  	v4 =	vperm.xlane v4, v2;
	v5 =	vadd.s32 v1, v5;
	_ =	sdelay $0x1  }
0x35: {  	v4 =	vadd.s32 v1, v4;
	_ =	sdelay $0x1  }
0x36: {  	s16 =	simm.s32 $0x12000  }
0x37: {  	[tilespmem:s16], [sflag:$0x1] =	stream.indirect_vreg.gather [hbm4b:s2+s3], $0x80, v5, vm0, $0xb8;
	[tilespmem:$0x1E000] =	vst v63  }
0x38: {  	s17 =	simm.s32 $0x12C00  }
0x39: {  	[tilespmem:s17], [sflag:$0x1] =	stream.indirect_vreg.gather [hbm4b:s2+s3], $0x80, v4, vm0, $0xb8;
	[tilespmem:$0x1E000] =	vst v63  }
0x3a: {  	v4 =	vld [tilespmem:$0x30];
	_ =	sdelay $0x4  }
0x3b: {  	v5 =	vshrl.u32 v4, $0x3  }
0x3c: {  	v5 =	vmul.u32 $0x18, v5  }
0x3d: {  	v4 =	vand.u32 $0x7, v4  }
0x3e: {  	v4 =	vor.u32 v4, v5  }
0x3f: {  	v5 =	vperm.xlane v4, v0;
	_ =	sdelay $0x1  }
0x40: {  	v4 =	vperm.xlane v4, v2;
	v5 =	vadd.s32 v1, v5;
	_ =	sdelay $0x1  }
0x41: {  	v4 =	vadd.s32 v1, v4;
	_ =	sdelay $0x1  }
0x42: {  	s18 =	simm.s32 $0x13800  }
0x43: {  	[tilespmem:s18], [sflag:$0x1] =	stream.indirect_vreg.gather [hbm4b:s2+s3], $0x80, v5, vm0, $0xb8;
	[tilespmem:$0x1E000] =	vst v63  }
0x44: {  	s19 =	simm.s32 $0x14400  }
0x45: {  	[tilespmem:s19], [sflag:$0x1] =	stream.indirect_vreg.gather [hbm4b:s2+s3], $0x80, v4, vm0, $0xb8;
	[tilespmem:$0x1E000] =	vst v63  }
0x46: {  	v4 =	vld [tilespmem:$0x40];
	_ =	sdelay $0x4  }
0x47: {  	v5 =	vshrl.u32 v4, $0x3  }
0x48: {  	v5 =	vmul.u32 $0x18, v5  }
0x49: {  	v4 =	vand.u32 $0x7, v4  }
0x4a: {  	v4 =	vor.u32 v4, v5  }
0x4b: {  	v5 =	vperm.xlane v4, v0;
	_ =	sdelay $0x1  }
0x4c: {  	v4 =	vperm.xlane v4, v2;
	v5 =	vadd.s32 v1, v5;
	_ =	sdelay $0x1  }
0x4d: {  	v4 =	vadd.s32 v1, v4;
	_ =	sdelay $0x1  }
0x4e: {  	s20 =	simm.s32 $0x15000  }
0x4f: {  	[tilespmem:s20], [sflag:$0x1] =	stream.indirect_vreg.gather [hbm4b:s2+s3], $0x80, v5, vm0, $0xb8;
	[tilespmem:$0x1E000] =	vst v63  }
0x50: {  	s14 =	simm.s32 $0x0  }
0x51: {  	[tilespmem:s21], [sflag:$0x1] =	stream.indirect_vreg.gather [hbm4b:s2+s3], $0x80, v4, vm0, $0xb8;
	[tilespmem:$0x1E000] =	vst v63  }
.LBB2_2:
0x52: {  	p0 =	seq.s32 s14, $0x0  }
0x53: {  	s16 =	simm.s32 @!p0 $0x6  }
0x54: {  	s15 =	sshllo.u32 s14, $0x1;
	_ =	swait.ge @!p0 [sflag:s16], $0x7800  }
0x55: {  	s17 =	sshll.u32 s15, $0x7;
	[sflag:s16] =	ssyncset.done @!p0 $0x0  }
0x56: {  	s19 =	sand.u32 $0x3FFFFF80, s17;
	[sflag:s16] =	ssyncadd.s32 @!p0 $0xFFFF8800  }
0x57: {  	[tilespmem:s22], [sflag:$0x4] =	stream.indirect.gather [hbm4b:s4+s10], $0x80, s19, s10, $0xb8;
	[tilespmem:$0x1E000] =	vst v63  }
0x58: {  	v4 =	vld [tilespmem:s19+$0x0];
	_ =	sdelay $0x4  }
0x59: {  	v5 =	vshrl.u32 v4, $0x3  }
0x5a: {  	v5 =	vmul.u32 $0x18, v5  }
0x5b: {  	v4 =	vand.u32 $0x7, v4  }
0x5c: {  	v4 =	vor.u32 v4, v5  }
0x5d: {  	v5 =	vperm.xlane v4, v0;
	_ =	sdelay $0x1  }
0x5e: {  	v4 =	vperm.xlane v4, v2;
	v5 =	vadd.s32 v1, v5;
	_ =	sdelay $0x1  }
0x5f: {  	v4 =	vadd.s32 v1, v4;
	_ =	sdelay $0x1  }
0x60: {  	s18 =	simm.s32 $0x0  }
0x61: {  	[tilespmem:s23], [sflag:$0x2] =	stream.indirect_vreg.gather [hbm4b:s2+s18], $0x80, v5, vm0, $0xb8;
	[tilespmem:$0x1E000] =	vst v63  }
0x62: {  	_ = 	snop  }
0x63: {  	[tilespmem:s24], [sflag:$0x2] =	stream.indirect_vreg.gather [hbm4b:s2+s18], $0x80, v4, vm0, $0xb8;
	[tilespmem:$0x1E000] =	vst v63  }
0x64: {  	v4 =	vld [tilespmem:s19+$0x10];
	_ =	sdelay $0x4  }
0x65: {  	v5 =	vshrl.u32 v4, $0x3  }
0x66: {  	v5 =	vmul.u32 $0x18, v5  }
0x67: {  	v4 =	vand.u32 $0x7, v4  }
0x68: {  	v4 =	vor.u32 v4, v5  }
0x69: {  	v5 =	vperm.xlane v4, v0;
	_ =	sdelay $0x1  }
0x6a: {  	v4 =	vperm.xlane v4, v2;
	v5 =	vadd.s32 v1, v5;
	_ =	sdelay $0x1  }
0x6b: {  	v4 =	vadd.s32 v1, v4;
	_ =	sdelay $0x2  }
0x6c: {  	[tilespmem:s25], [sflag:$0x2] =	stream.indirect_vreg.gather [hbm4b:s2+s18], $0x80, v5, vm0, $0xb8;
	[tilespmem:$0x1E000] =	vst v63  }
0x6d: {  	_ = 	snop  }
0x6e: {  	[tilespmem:s26], [sflag:$0x2] =	stream.indirect_vreg.gather [hbm4b:s2+s18], $0x80, v4, vm0, $0xb8;
	[tilespmem:$0x1E000] =	vst v63  }
0x6f: {  	v4 =	vld [tilespmem:s19+$0x20];
	_ =	sdelay $0x4  }
0x70: {  	v5 =	vshrl.u32 v4, $0x3  }
0x71: {  	v5 =	vmul.u32 $0x18, v5  }
0x72: {  	v4 =	vand.u32 $0x7, v4  }
0x73: {  	v4 =	vor.u32 v4, v5  }
0x74: {  	v5 =	vperm.xlane v4, v0;
	_ =	sdelay $0x1  }
0x75: {  	v4 =	vperm.xlane v4, v2;
	v5 =	vadd.s32 v1, v5;
	_ =	sdelay $0x1  }
0x76: {  	v4 =	vadd.s32 v1, v4;
	_ =	sdelay $0x2  }
0x77: {  	[tilespmem:s28], [sflag:$0x2] =	stream.indirect_vreg.gather [hbm4b:s2+s18], $0x80, v5, vm0, $0xb8;
	[tilespmem:$0x1E000] =	vst v63  }
0x78: {  	_ = 	snop  }
0x79: {  	[tilespmem:s29], [sflag:$0x2] =	stream.indirect_vreg.gather [hbm4b:s2+s18], $0x80, v4, vm0, $0xb8;
	[tilespmem:$0x1E000] =	vst v63  }
0x7a: {  	v4 =	vld [tilespmem:s19+$0x30];
	_ =	sdelay $0x4  }
0x7b: {  	v5 =	vshrl.u32 v4, $0x3  }
0x7c: {  	v5 =	vmul.u32 $0x18, v5  }
0x7d: {  	v4 =	vand.u32 $0x7, v4  }
0x7e: {  	v4 =	vor.u32 v4, v5  }
0x7f: {  	v5 =	vperm.xlane v4, v0;
	_ =	sdelay $0x1  }
0x80: {  	v4 =	vperm.xlane v4, v2;
	v5 =	vadd.s32 v1, v5;
	_ =	sdelay $0x1  }
0x81: {  	v4 =	vadd.s32 v1, v4;
	_ =	sdelay $0x2  }
0x82: {  	[tilespmem:s30], [sflag:$0x2] =	stream.indirect_vreg.gather [hbm4b:s2+s18], $0x80, v5, vm0, $0xb8;
	[tilespmem:$0x1E000] =	vst v63  }
0x83: {  	_ = 	snop  }
0x84: {  	[tilespmem:s31], [sflag:$0x2] =	stream.indirect_vreg.gather [hbm4b:s2+s18], $0x80, v4, vm0, $0xb8;
	[tilespmem:$0x1E000] =	vst v63  }
0x85: {  	v4 =	vld [tilespmem:s19+$0x40];
	_ =	sdelay $0x4  }
0x86: {  	v5 =	vshrl.u32 v4, $0x3  }
0x87: {  	v5 =	vmul.u32 $0x18, v5  }
0x88: {  	v4 =	vand.u32 $0x7, v4  }
0x89: {  	v4 =	vor.u32 v4, v5  }
0x8a: {  	v5 =	vperm.xlane v4, v0;
	_ =	sdelay $0x1  }
0x8b: {  	v4 =	vperm.xlane v4, v2;
	v5 =	vadd.s32 v1, v5;
	_ =	sdelay $0x1  }
0x8c: {  	v4 =	vadd.s32 v1, v4;
	_ =	sdelay $0x2  }
0x8d: {  	[tilespmem:s1], [sflag:$0x2] =	stream.indirect_vreg.gather [hbm4b:s2+s18], $0x80, v5, vm0, $0xb8;
	[tilespmem:$0x1E000] =	vst v63  }
0x8e: {  	_ = 	snop  }
0x8f: {  	[tilespmem:s0], [sflag:$0x2] =	stream.indirect_vreg.gather [hbm4b:s2+s18], $0x80, v4, vm0, $0xb8;
	[tilespmem:$0x1E000] =	vst v63  }
0x90: {  	_ =	swait.ge [sflag:s7], $0x2800  }
0x91: {  	[sflag:s7] =	ssyncset.done $0x0  }
0x92: {  	s16 =	simm.s32 $0xA200;
	[sflag:s7] =	ssyncadd.s32 $0xFFFFD800  }
0x93: {  	v4 =	vld [tilespmem:s16+$0xFFFFFE00];
	_ =	sdelay $0x3  }
0x94: {  	s17 =	simm.s32 $0xFB90  }
0x95: {  	[tilespmem:s17+$0xFFFFFC70] =	vst v4;
	v4 =	vmov s18  }
0x96: {  	v5 =	vld [tilespmem:s16+$0xFFFFFE10];
	v4 =	vshrl.u32 v4, $0x3  }
0x97: {  	v4 =	vmul.u32 $0xC00, v4;
	_ =	sdelay $0x1  }
0x98: {  	v4 =	vadd.s32 $0x800, v4  }
0x99: {  	v4 =	vbroadcast v4, $0x0  }
0x9a: {  	[tilespmem:s17+$0xFFFFFC80] =	vst v5  }
0x9b: {  	v5 =	vld [tilespmem:s16+$0xFFFFFE20];
	v4 =	vor.u32 v3, v4;
	_ =	sdelay $0x4  }
0x9c: {  	[tilespmem:v4+s12+$0x0] =	vst.idx.msk $0xfff, v5  }
0x9d: {  	v4 =	vld [tilespmem:s16+$0xFFFFFE80];
	_ =	sdelay $0x3  }
0x9e: {  	s20 =	simm.s32 $0x1  }
0x9f: {  	[tilespmem:s17+$0xFFFFFCF0] =	vst v4;
	v4 =	vmov s20  }
0xa0: {  	v5 =	vld [tilespmem:s16+$0xFFFFFE90];
	v4 =	vshrl.u32 v4, $0x3  }
0xa1: {  	v4 =	vmul.u32 $0xC00, v4;
	_ =	sdelay $0x1  }
0xa2: {  	v4 =	vadd.s32 $0x880, v4  }
0xa3: {  	v4 =	vbroadcast v4, $0x0  }
0xa4: {  	[tilespmem:s17+$0xFFFFFD00] =	vst v5  }
0xa5: {  	v5 =	vld [tilespmem:s16+$0xFFFFFEA0];
	v4 =	vor.u32 v3, v4;
	_ =	sdelay $0x4  }
0xa6: {  	[tilespmem:v4+s12+$0x0] =	vst.idx.msk $0xfff, v5  }
0xa7: {  	v4 =	vld [tilespmem:s16+$0xFFFFFF00];
	_ =	sdelay $0x3  }
0xa8: {  	s19 =	simm.s32 $0x2  }
0xa9: {  	[tilespmem:s17+$0xFFFFFD70] =	vst v4;
	v4 =	vmov s19  }
0xaa: {  	v5 =	vld [tilespmem:s16+$0xFFFFFF10];
	v4 =	vshrl.u32 v4, $0x3  }
0xab: {  	v4 =	vmul.u32 $0xC00, v4;
	_ =	sdelay $0x1  }
0xac: {  	v4 =	vadd.s32 $0x900, v4  }
0xad: {  	v4 =	vbroadcast v4, $0x0  }
0xae: {  	[tilespmem:s17+$0xFFFFFD80] =	vst v5  }
0xaf: {  	v5 =	vld [tilespmem:s16+$0xFFFFFF20];
	v4 =	vor.u32 v3, v4;
	_ =	sdelay $0x4  }
0xb0: {  	[tilespmem:v4+s12+$0x0] =	vst.idx.msk $0xfff, v5  }
0xb1: {  	v4 =	vld [tilespmem:s16+$0xFFFFFF80];
	_ =	sdelay $0x3  }
0xb2: {  	s20 =	simm.s32 $0x3  }
0xb3: {  	[tilespmem:s17+$0xFFFFFDF0] =	vst v4;
	v4 =	vmov s20  }
0xb4: {  	v5 =	vld [tilespmem:s16+$0xFFFFFF90];
	v4 =	vshrl.u32 v4, $0x3  }
0xb5: {  	v4 =	vmul.u32 $0xC00, v4;
	_ =	sdelay $0x1  }
0xb6: {  	v4 =	vadd.s32 $0x980, v4  }
0xb7: {  	v4 =	vbroadcast v4, $0x0  }
0xb8: {  	[tilespmem:s17+$0xFFFFFE00] =	vst v5  }
0xb9: {  	v5 =	vld [tilespmem:s16+$0xFFFFFFA0];
	v4 =	vor.u32 v3, v4;
	_ =	sdelay $0x4  }
0xba: {  	[tilespmem:v4+s12+$0x0] =	vst.idx.msk $0xfff, v5  }
0xbb: {  	v4 =	vld [tilespmem:s16+$0x0];
	_ =	sdelay $0x3  }
0xbc: {  	s19 =	simm.s32 $0x4  }
0xbd: {  	[tilespmem:s17+$0xFFFFFE70] =	vst v4;
	v4 =	vmov s19  }
0xbe: {  	v5 =	vld [tilespmem:s16+$0x10];
	v4 =	vshrl.u32 v4, $0x3  }
0xbf: {  	v4 =	vmul.u32 $0xC00, v4;
	_ =	sdelay $0x1  }
0xc0: {  	v4 =	vadd.s32 $0xA00, v4  }
0xc1: {  	v4 =	vbroadcast v4, $0x0  }
0xc2: {  	[tilespmem:s17+$0xFFFFFE80] =	vst v5  }
0xc3: {  	v5 =	vld [tilespmem:s16+$0x20];
	v4 =	vor.u32 v3, v4;
	_ =	sdelay $0x4  }
0xc4: {  	[tilespmem:v4+s12+$0x0] =	vst.idx.msk $0xfff, v5  }
0xc5: {  	v4 =	vld [tilespmem:s16+$0x80];
	_ =	sdelay $0x3  }
0xc6: {  	s20 =	simm.s32 $0x5  }
0xc7: {  	[tilespmem:s17+$0xFFFFFEF0] =	vst v4;
	v4 =	vmov s20  }
0xc8: {  	v5 =	vld [tilespmem:s16+$0x90];
	v4 =	vshrl.u32 v4, $0x3  }
0xc9: {  	v4 =	vmul.u32 $0xC00, v4;
	_ =	sdelay $0x1  }
0xca: {  	v4 =	vadd.s32 $0xA80, v4  }
0xcb: {  	v4 =	vbroadcast v4, $0x0  }
0xcc: {  	[tilespmem:s17+$0xFFFFFF00] =	vst v5  }
0xcd: {  	v5 =	vld [tilespmem:s16+$0xA0];
	v4 =	vor.u32 v3, v4;
	_ =	sdelay $0x4  }
0xce: {  	[tilespmem:v4+s12+$0x0] =	vst.idx.msk $0xfff, v5  }
0xcf: {  	v4 =	vld [tilespmem:s16+$0x100];
	_ =	sdelay $0x3  }
0xd0: {  	s19 =	simm.s32 $0x6  }
0xd1: {  	[tilespmem:s17+$0xFFFFFF70] =	vst v4;
	v4 =	vmov s19  }
0xd2: {  	v5 =	vld [tilespmem:s16+$0x110];
	v4 =	vshrl.u32 v4, $0x3  }
0xd3: {  	v4 =	vmul.u32 $0xC00, v4;
	_ =	sdelay $0x1  }
0xd4: {  	v4 =	vadd.s32 $0xB00, v4  }
0xd5: {  	v4 =	vbroadcast v4, $0x0  }
0xd6: {  	[tilespmem:s17+$0xFFFFFF80] =	vst v5  }
0xd7: {  	v5 =	vld [tilespmem:s16+$0x120];
	v4 =	vor.u32 v3, v4;
	_ =	sdelay $0x4  }
0xd8: {  	[tilespmem:v4+s12+$0x0] =	vst.idx.msk $0xfff, v5  }
0xd9: {  	v4 =	vld [tilespmem:s16+$0x180];
	_ =	sdelay $0x3  }
0xda: {  	s20 =	simm.s32 $0x7  }
0xdb: {  	[tilespmem:s17+$0xFFFFFFF0] =	vst v4;
	v4 =	vmov s20  }
0xdc: {  	v5 =	vld [tilespmem:s16+$0x190];
	v4 =	vshrl.u32 v4, $0x3  }
0xdd: {  	v4 =	vmul.u32 $0xC00, v4;
	_ =	sdelay $0x1  }
0xde: {  	v4 =	vadd.s32 $0xB80, v4  }
0xdf: {  	v6 =	vbroadcast v4, $0x0  }
0xe0: {  	[tilespmem:s17+$0x0] =	vst v5  }
0xe1: {  	s18 =	simm.s32 $0x8;
	v4 =	vld [tilespmem:s16+$0x1A0];
	v5 =	vor.u32 v3, v6  }
.LBB2_3:
0xe2: {  	_ =	sdelay $0x3  }
0xe3: {  	p0 =	slt.u32 s18, $0x48;
	s17 =	sadd.s32 $0xC00, s17;
	s16 =	sadd.s32 $0x400, s16;
	[tilespmem:v5+s12+$0x0] =	vst.idx.msk $0xfff, v4  }
0xe4: {  	s19 =	smov.u32 s18;
	s18 =	sadd.s32 $0x8, s18;
	v4 =	vld [tilespmem:s16+$0xFFFFFE00];
	_ =	sdelay $0x4  }
0xe5: {  	[tilespmem:s17+$0xFFFFFC70] =	vst v4;
	v4 =	vmov s19  }
0xe6: {  	v5 =	vld [tilespmem:s16+$0xFFFFFE10];
	v4 =	vshrl.u32 v4, $0x3  }
0xe7: {  	v4 =	vmul.u32 $0xC00, v4;
	_ =	sdelay $0x1  }
0xe8: {  	v4 =	vadd.s32 $0x800, v4  }
0xe9: {  	v4 =	vbroadcast v4, $0x0  }
0xea: {  	[tilespmem:s17+$0xFFFFFC80] =	vst v5  }
0xeb: {  	v5 =	vld [tilespmem:s16+$0xFFFFFE20];
	v4 =	vor.u32 v3, v4;
	_ =	sdelay $0x4  }
0xec: {  	[tilespmem:v4+s12+$0x0] =	vst.idx.msk $0xfff, v5  }
0xed: {  	v4 =	vld [tilespmem:s16+$0xFFFFFE80];
	_ =	sdelay $0x3  }
0xee: {  	s20 =	sadd.s32 $0x1, s19  }
0xef: {  	[tilespmem:s17+$0xFFFFFCF0] =	vst v4;
	v4 =	vmov s20  }
0xf0: {  	v5 =	vld [tilespmem:s16+$0xFFFFFE90];
	v4 =	vshrl.u32 v4, $0x3  }
0xf1: {  	v4 =	vmul.u32 $0xC00, v4;
	_ =	sdelay $0x1  }
0xf2: {  	v4 =	vadd.s32 $0x880, v4  }
0xf3: {  	v4 =	vbroadcast v4, $0x0  }
0xf4: {  	[tilespmem:s17+$0xFFFFFD00] =	vst v5  }
0xf5: {  	v5 =	vld [tilespmem:s16+$0xFFFFFEA0];
	v4 =	vor.u32 v3, v4;
	_ =	sdelay $0x4  }
0xf6: {  	[tilespmem:v4+s12+$0x0] =	vst.idx.msk $0xfff, v5  }
0xf7: {  	v4 =	vld [tilespmem:s16+$0xFFFFFF00];
	_ =	sdelay $0x3  }
0xf8: {  	s20 =	sadd.s32 $0x2, s19  }
0xf9: {  	[tilespmem:s17+$0xFFFFFD70] =	vst v4;
	v4 =	vmov s20  }
0xfa: {  	v5 =	vld [tilespmem:s16+$0xFFFFFF10];
	v4 =	vshrl.u32 v4, $0x3  }
0xfb: {  	v4 =	vmul.u32 $0xC00, v4;
	_ =	sdelay $0x1  }
0xfc: {  	v4 =	vadd.s32 $0x900, v4  }
0xfd: {  	v4 =	vbroadcast v4, $0x0  }
0xfe: {  	[tilespmem:s17+$0xFFFFFD80] =	vst v5  }
0xff: {  	v5 =	vld [tilespmem:s16+$0xFFFFFF20];
	v4 =	vor.u32 v3, v4;
	_ =	sdelay $0x4  }
0x100: {  	[tilespmem:v4+s12+$0x0] =	vst.idx.msk $0xfff, v5  }
0x101: {  	v4 =	vld [tilespmem:s16+$0xFFFFFF80];
	_ =	sdelay $0x3  }
0x102: {  	s20 =	sadd.s32 $0x3, s19  }
0x103: {  	[tilespmem:s17+$0xFFFFFDF0] =	vst v4;
	v4 =	vmov s20  }
0x104: {  	v5 =	vld [tilespmem:s16+$0xFFFFFF90];
	v4 =	vshrl.u32 v4, $0x3  }
0x105: {  	v4 =	vmul.u32 $0xC00, v4;
	_ =	sdelay $0x1  }
0x106: {  	v4 =	vadd.s32 $0x980, v4  }
0x107: {  	v4 =	vbroadcast v4, $0x0  }
0x108: {  	[tilespmem:s17+$0xFFFFFE00] =	vst v5  }
0x109: {  	v5 =	vld [tilespmem:s16+$0xFFFFFFA0];
	v4 =	vor.u32 v3, v4;
	_ =	sdelay $0x4  }
0x10a: {  	[tilespmem:v4+s12+$0x0] =	vst.idx.msk $0xfff, v5  }
0x10b: {  	v4 =	vld [tilespmem:s16+$0x0];
	_ =	sdelay $0x3  }
0x10c: {  	s20 =	sadd.s32 $0x4, s19  }
0x10d: {  	[tilespmem:s17+$0xFFFFFE70] =	vst v4;
	v4 =	vmov s20  }
0x10e: {  	v5 =	vld [tilespmem:s16+$0x10];
	v4 =	vshrl.u32 v4, $0x3  }
0x10f: {  	v4 =	vmul.u32 $0xC00, v4;
	_ =	sdelay $0x1  }
0x110: {  	v4 =	vadd.s32 $0xA00, v4  }
0x111: {  	v4 =	vbroadcast v4, $0x0  }
0x112: {  	[tilespmem:s17+$0xFFFFFE80] =	vst v5  }
0x113: {  	v5 =	vld [tilespmem:s16+$0x20];
	v4 =	vor.u32 v3, v4;
	_ =	sdelay $0x4  }
0x114: {  	[tilespmem:v4+s12+$0x0] =	vst.idx.msk $0xfff, v5  }
0x115: {  	v4 =	vld [tilespmem:s16+$0x80];
	_ =	sdelay $0x3  }
0x116: {  	s20 =	sadd.s32 $0x5, s19  }
0x117: {  	[tilespmem:s17+$0xFFFFFEF0] =	vst v4;
	v4 =	vmov s20  }
0x118: {  	v5 =	vld [tilespmem:s16+$0x90];
	v4 =	vshrl.u32 v4, $0x3  }
0x119: {  	v4 =	vmul.u32 $0xC00, v4;
	_ =	sdelay $0x1  }
0x11a: {  	v4 =	vadd.s32 $0xA80, v4  }
0x11b: {  	v4 =	vbroadcast v4, $0x0  }
0x11c: {  	[tilespmem:s17+$0xFFFFFF00] =	vst v5  }
0x11d: {  	v5 =	vld [tilespmem:s16+$0xA0];
	v4 =	vor.u32 v3, v4;
	_ =	sdelay $0x4  }
0x11e: {  	[tilespmem:v4+s12+$0x0] =	vst.idx.msk $0xfff, v5  }
0x11f: {  	v4 =	vld [tilespmem:s16+$0x100];
	_ =	sdelay $0x3  }
0x120: {  	s20 =	sadd.s32 $0x6, s19  }
0x121: {  	[tilespmem:s17+$0xFFFFFF70] =	vst v4;
	v4 =	vmov s20  }
0x122: {  	v5 =	vld [tilespmem:s16+$0x110];
	v4 =	vshrl.u32 v4, $0x3  }
0x123: {  	v4 =	vmul.u32 $0xC00, v4;
	_ =	sdelay $0x1  }
0x124: {  	v4 =	vadd.s32 $0xB00, v4  }
0x125: {  	v4 =	vbroadcast v4, $0x0  }
0x126: {  	[tilespmem:s17+$0xFFFFFF80] =	vst v5  }
0x127: {  	v5 =	vld [tilespmem:s16+$0x120];
	v4 =	vor.u32 v3, v4;
	_ =	sdelay $0x4  }
0x128: {  	[tilespmem:v4+s12+$0x0] =	vst.idx.msk $0xfff, v5  }
0x129: {  	v4 =	vld [tilespmem:s16+$0x180];
	_ =	sdelay $0x3  }
0x12a: {  	s19 =	sadd.s32 $0x7, s19  }
0x12b: {  	[tilespmem:s17+$0xFFFFFFF0] =	vst v4;
	v4 =	vmov s19  }
0x12c: {  	v5 =	vld [tilespmem:s16+$0x190];
	v4 =	vshrl.u32 v4, $0x3  }
0x12d: {  	v4 =	vmul.u32 $0xC00, v4  }
.Ltmp0:
0x12e: {  	(pc) =	sbr.rel @p0 .LBB2_3-.Ltmp0, $4  }
0x12f: {  	v4 =	vadd.s32 $0xB80, v4  }
0x130: {  	v6 =	vbroadcast v4, $0x0  }
0x131: {  	[tilespmem:s17+$0x0] =	vst v5  }
0x132: {  	v4 =	vld [tilespmem:s16+$0x1A0];
	v5 =	vor.u32 v3, v6  }
0x133: {  	_ = 	snop  }
0x134: {  	s16 =	smul.u32 $0xA0, s14;
	_ =	sdelay $0x1  }
0x135: {  	p0 =	seq.s32 s14, $0x9F;
	s16 =	sadd.s32 s6, s16  }
.Ltmp1:
0x136: {  	s16 =	sshrl.u32 s16, $0x3;
	[tilespmem:v5+s12+$0x0] =	vst.idx.msk $0xfff, v4;
	(pc) =	sbr.rel @p0 .LBB2_6-.Ltmp1, $4  }
0x137: {  	s16 =	smul.u32 $0x180, s16;
	_ =	swait.ge [sflag:s8], $0x5000  }
0x138: {  	[sflag:s8] =	ssyncset.done $0x0  }
0x139: {  	s16 =	sadd.s32 s5, s16;
	[sflag:s8] =	ssyncadd.s32 $0xFFFFB000  }
0x13a: {  	[hbm4b:s16+s3] =	stream.linear.scatter [tilespmem:s12], [sflag:$0x5], $0x7800, $0x38;
	[tilespmem:$0x1E000] =	vst v63  }
0x13b: {  	_ =	swait.ge [sflag:s13], $0x7800;
	s16 =	sshll.u32 s14, $0x8  }
0x13c: {  	[sflag:s13] =	ssyncset.done $0x0;
	s16 =	sand.u32 $0x3FFFFF00, s16  }
0x13d: {  	s18 =	simm.s32 $0xA000;
	[sflag:s13] =	ssyncadd.s32 $0xFFFF8800;
	s17 =	sadd.s32 $0x100, s16  }
0x13e: {  	[tilespmem:s18], [sflag:$0x3] =	stream.indirect.gather [hbm4b:s4+s10], $0x80, s17, s10, $0xb8;
	[tilespmem:$0x1E000] =	vst v63  }
0x13f: {  	v4 =	vld [tilespmem:s16+$0x100];
	_ =	sdelay $0x4  }
0x140: {  	v5 =	vshrl.u32 v4, $0x3  }
0x141: {  	v5 =	vmul.u32 $0x18, v5  }
0x142: {  	v4 =	vand.u32 $0x7, v4  }
0x143: {  	v4 =	vor.u32 v4, v5  }
0x144: {  	v5 =	vperm.xlane v4, v0;
	_ =	sdelay $0x1  }
0x145: {  	v4 =	vperm.xlane v4, v2;
	v5 =	vadd.s32 v1, v5;
	_ =	sdelay $0x1  }
0x146: {  	v4 =	vadd.s32 v1, v4;
	_ =	sdelay $0x2  }
0x147: {  	[tilespmem:s12], [sflag:$0x1] =	stream.indirect_vreg.gather [hbm4b:s2+s3], $0x80, v5, vm0, $0xb8;
	[tilespmem:$0x1E000] =	vst v63  }
0x148: {  	s19 =	simm.s32 $0xFC00  }
0x149: {  	[tilespmem:s19], [sflag:$0x1] =	stream.indirect_vreg.gather [hbm4b:s2+s3], $0x80, v4, vm0, $0xb8;
	[tilespmem:$0x1E000] =	vst v63  }
0x14a: {  	v4 =	vld [tilespmem:s16+$0x110];
	_ =	sdelay $0x4  }
0x14b: {  	v5 =	vshrl.u32 v4, $0x3  }
0x14c: {  	v5 =	vmul.u32 $0x18, v5  }
0x14d: {  	v4 =	vand.u32 $0x7, v4  }
0x14e: {  	v4 =	vor.u32 v4, v5  }
0x14f: {  	v5 =	vperm.xlane v4, v0;
	_ =	sdelay $0x1  }
0x150: {  	v4 =	vperm.xlane v4, v2;
	v5 =	vadd.s32 v1, v5;
	_ =	sdelay $0x1  }
0x151: {  	v4 =	vadd.s32 v1, v4;
	_ =	sdelay $0x1  }
0x152: {  	s20 =	simm.s32 $0x10800  }
0x153: {  	[tilespmem:s20], [sflag:$0x1] =	stream.indirect_vreg.gather [hbm4b:s2+s3], $0x80, v5, vm0, $0xb8;
	[tilespmem:$0x1E000] =	vst v63  }
0x154: {  	s18 =	simm.s32 $0x11400  }
0x155: {  	[tilespmem:s18], [sflag:$0x1] =	stream.indirect_vreg.gather [hbm4b:s2+s3], $0x80, v4, vm0, $0xb8;
	[tilespmem:$0x1E000] =	vst v63  }
0x156: {  	v4 =	vld [tilespmem:s16+$0x120];
	_ =	sdelay $0x4  }
0x157: {  	v5 =	vshrl.u32 v4, $0x3  }
0x158: {  	v5 =	vmul.u32 $0x18, v5  }
0x159: {  	v4 =	vand.u32 $0x7, v4  }
0x15a: {  	v4 =	vor.u32 v4, v5  }
0x15b: {  	v5 =	vperm.xlane v4, v0;
	_ =	sdelay $0x1  }
0x15c: {  	v4 =	vperm.xlane v4, v2;
	v5 =	vadd.s32 v1, v5;
	_ =	sdelay $0x1  }
0x15d: {  	v4 =	vadd.s32 v1, v4;
	_ =	sdelay $0x1  }
0x15e: {  	s19 =	simm.s32 $0x12000  }
0x15f: {  	[tilespmem:s19], [sflag:$0x1] =	stream.indirect_vreg.gather [hbm4b:s2+s3], $0x80, v5, vm0, $0xb8;
	[tilespmem:$0x1E000] =	vst v63  }
0x160: {  	s20 =	simm.s32 $0x12C00  }
0x161: {  	[tilespmem:s20], [sflag:$0x1] =	stream.indirect_vreg.gather [hbm4b:s2+s3], $0x80, v4, vm0, $0xb8;
	[tilespmem:$0x1E000] =	vst v63  }
0x162: {  	v4 =	vld [tilespmem:s16+$0x130];
	_ =	sdelay $0x4  }
0x163: {  	v5 =	vshrl.u32 v4, $0x3  }
0x164: {  	v5 =	vmul.u32 $0x18, v5  }
0x165: {  	v4 =	vand.u32 $0x7, v4  }
0x166: {  	v4 =	vor.u32 v4, v5  }
0x167: {  	v5 =	vperm.xlane v4, v0;
	_ =	sdelay $0x1  }
0x168: {  	v4 =	vperm.xlane v4, v2;
	v5 =	vadd.s32 v1, v5;
	_ =	sdelay $0x1  }
0x169: {  	v4 =	vadd.s32 v1, v4;
	_ =	sdelay $0x1  }
0x16a: {  	s18 =	simm.s32 $0x13800  }
0x16b: {  	[tilespmem:s18], [sflag:$0x1] =	stream.indirect_vreg.gather [hbm4b:s2+s3], $0x80, v5, vm0, $0xb8;
	[tilespmem:$0x1E000] =	vst v63  }
0x16c: {  	s19 =	simm.s32 $0x14400  }
0x16d: {  	[tilespmem:s19], [sflag:$0x1] =	stream.indirect_vreg.gather [hbm4b:s2+s3], $0x80, v4, vm0, $0xb8;
	[tilespmem:$0x1E000] =	vst v63  }
0x16e: {  	v4 =	vld [tilespmem:s16+$0x140];
	_ =	sdelay $0x4  }
0x16f: {  	v5 =	vshrl.u32 v4, $0x3  }
0x170: {  	v5 =	vmul.u32 $0x18, v5  }
0x171: {  	v4 =	vand.u32 $0x7, v4  }
0x172: {  	v4 =	vor.u32 v4, v5  }
0x173: {  	v5 =	vperm.xlane v4, v0;
	_ =	sdelay $0x1  }
0x174: {  	v4 =	vperm.xlane v4, v2;
	v5 =	vadd.s32 v1, v5;
	_ =	sdelay $0x1  }
0x175: {  	v4 =	vadd.s32 v1, v4;
	_ =	sdelay $0x1  }
0x176: {  	s20 =	simm.s32 $0x15000  }
0x177: {  	[tilespmem:s20], [sflag:$0x1] =	stream.indirect_vreg.gather [hbm4b:s2+s3], $0x80, v5, vm0, $0xb8;
	[tilespmem:$0x1E000] =	vst v63  }
0x178: {  	_ = 	snop  }
0x179: {  	[tilespmem:s21], [sflag:$0x1] =	stream.indirect_vreg.gather [hbm4b:s2+s3], $0x80, v4, vm0, $0xb8;
	[tilespmem:$0x1E000] =	vst v63  }
.LBB2_6:
0x17a: {  	_ =	swait.ge [sflag:s9], $0x2800  }
0x17b: {  	[sflag:s9] =	ssyncset.done $0x0  }
0x17c: {  	s16 =	simm.s32 $0xCBA0;
	[sflag:s9] =	ssyncadd.s32 $0xFFFFD800  }
0x17d: {  	v4 =	vld [tilespmem:s16+$0xFFFFFC60];
	_ =	sdelay $0x3  }
0x17e: {  	s18 =	simm.s32 $0x0;
	s17 =	simm.s32 $0x17000  }
0x17f: {  	[tilespmem:s17+$0x0] =	vst v4;
	v4 =	vmov s18  }
0x180: {  	v5 =	vld [tilespmem:s16+$0xFFFFFC70];
	v4 =	vshrl.u32 v4, $0x3  }
0x181: {  	v4 =	vmul.u32 $0xC00, v4;
	_ =	sdelay $0x1  }
0x182: {  	v4 =	vadd.s32 $0x800, v4  }
0x183: {  	v4 =	vbroadcast v4, $0x0  }
0x184: {  	[tilespmem:s17+$0x10] =	vst v5  }
0x185: {  	v5 =	vld [tilespmem:s16+$0xFFFFFC80];
	v4 =	vor.u32 v3, v4;
	_ =	sdelay $0x4  }
0x186: {  	[tilespmem:v4+s23+$0x0] =	vst.idx.msk $0xfff, v5  }
0x187: {  	v4 =	vld [tilespmem:s16+$0xFFFFFCE0];
	_ =	sdelay $0x3  }
0x188: {  	s20 =	simm.s32 $0x1  }
0x189: {  	[tilespmem:s17+$0x80] =	vst v4;
	v4 =	vmov s20  }
0x18a: {  	v5 =	vld [tilespmem:s16+$0xFFFFFCF0];
	v4 =	vshrl.u32 v4, $0x3  }
0x18b: {  	v4 =	vmul.u32 $0xC00, v4;
	_ =	sdelay $0x1  }
0x18c: {  	v4 =	vadd.s32 $0x880, v4  }
0x18d: {  	v4 =	vbroadcast v4, $0x0  }
0x18e: {  	[tilespmem:s17+$0x90] =	vst v5  }
0x18f: {  	v5 =	vld [tilespmem:s16+$0xFFFFFD00];
	v4 =	vor.u32 v3, v4;
	_ =	sdelay $0x4  }
0x190: {  	[tilespmem:v4+s23+$0x0] =	vst.idx.msk $0xfff, v5  }
0x191: {  	v4 =	vld [tilespmem:s16+$0xFFFFFD60];
	_ =	sdelay $0x3  }
0x192: {  	s19 =	simm.s32 $0x2  }
0x193: {  	[tilespmem:s17+$0x100] =	vst v4;
	v4 =	vmov s19  }
0x194: {  	v5 =	vld [tilespmem:s16+$0xFFFFFD70];
	v4 =	vshrl.u32 v4, $0x3  }
0x195: {  	v4 =	vmul.u32 $0xC00, v4;
	_ =	sdelay $0x1  }
0x196: {  	v4 =	vadd.s32 $0x900, v4  }
0x197: {  	v4 =	vbroadcast v4, $0x0  }
0x198: {  	[tilespmem:s17+$0x110] =	vst v5  }
0x199: {  	v5 =	vld [tilespmem:s16+$0xFFFFFD80];
	v4 =	vor.u32 v3, v4;
	_ =	sdelay $0x4  }
0x19a: {  	[tilespmem:v4+s23+$0x0] =	vst.idx.msk $0xfff, v5  }
0x19b: {  	v4 =	vld [tilespmem:s16+$0xFFFFFDE0];
	_ =	sdelay $0x3  }
0x19c: {  	s20 =	simm.s32 $0x3  }
0x19d: {  	[tilespmem:s17+$0x180] =	vst v4;
	v4 =	vmov s20  }
0x19e: {  	v5 =	vld [tilespmem:s16+$0xFFFFFDF0];
	v4 =	vshrl.u32 v4, $0x3  }
0x19f: {  	v4 =	vmul.u32 $0xC00, v4;
	_ =	sdelay $0x1  }
0x1a0: {  	v4 =	vadd.s32 $0x980, v4  }
0x1a1: {  	v4 =	vbroadcast v4, $0x0  }
0x1a2: {  	[tilespmem:s17+$0x190] =	vst v5  }
0x1a3: {  	v5 =	vld [tilespmem:s16+$0xFFFFFE00];
	v4 =	vor.u32 v3, v4;
	_ =	sdelay $0x4  }
0x1a4: {  	[tilespmem:v4+s23+$0x0] =	vst.idx.msk $0xfff, v5  }
0x1a5: {  	v4 =	vld [tilespmem:s16+$0xFFFFFE60];
	_ =	sdelay $0x3  }
0x1a6: {  	s19 =	simm.s32 $0x4  }
0x1a7: {  	[tilespmem:s17+$0x200] =	vst v4;
	v4 =	vmov s19  }
0x1a8: {  	v5 =	vld [tilespmem:s16+$0xFFFFFE70];
	v4 =	vshrl.u32 v4, $0x3  }
0x1a9: {  	v4 =	vmul.u32 $0xC00, v4;
	_ =	sdelay $0x1  }
0x1aa: {  	v4 =	vadd.s32 $0xA00, v4  }
0x1ab: {  	v4 =	vbroadcast v4, $0x0  }
0x1ac: {  	[tilespmem:s17+$0x210] =	vst v5  }
0x1ad: {  	v5 =	vld [tilespmem:s16+$0xFFFFFE80];
	v4 =	vor.u32 v3, v4;
	_ =	sdelay $0x4  }
0x1ae: {  	[tilespmem:v4+s23+$0x0] =	vst.idx.msk $0xfff, v5  }
0x1af: {  	v4 =	vld [tilespmem:s16+$0xFFFFFEE0];
	_ =	sdelay $0x3  }
0x1b0: {  	s20 =	simm.s32 $0x5  }
0x1b1: {  	[tilespmem:s17+$0x280] =	vst v4;
	v4 =	vmov s20  }
0x1b2: {  	v5 =	vld [tilespmem:s16+$0xFFFFFEF0];
	v4 =	vshrl.u32 v4, $0x3  }
0x1b3: {  	v4 =	vmul.u32 $0xC00, v4;
	_ =	sdelay $0x1  }
0x1b4: {  	v4 =	vadd.s32 $0xA80, v4  }
0x1b5: {  	v4 =	vbroadcast v4, $0x0  }
0x1b6: {  	[tilespmem:s17+$0x290] =	vst v5  }
0x1b7: {  	v5 =	vld [tilespmem:s16+$0xFFFFFF00];
	v4 =	vor.u32 v3, v4;
	_ =	sdelay $0x4  }
0x1b8: {  	[tilespmem:v4+s23+$0x0] =	vst.idx.msk $0xfff, v5  }
0x1b9: {  	v4 =	vld [tilespmem:s16+$0xFFFFFF60];
	_ =	sdelay $0x3  }
0x1ba: {  	s19 =	simm.s32 $0x6  }
0x1bb: {  	[tilespmem:s17+$0x300] =	vst v4;
	v4 =	vmov s19  }
0x1bc: {  	v5 =	vld [tilespmem:s16+$0xFFFFFF70];
	v4 =	vshrl.u32 v4, $0x3  }
0x1bd: {  	v4 =	vmul.u32 $0xC00, v4;
	_ =	sdelay $0x1  }
0x1be: {  	v4 =	vadd.s32 $0xB00, v4  }
0x1bf: {  	v4 =	vbroadcast v4, $0x0  }
0x1c0: {  	[tilespmem:s17+$0x310] =	vst v5  }
0x1c1: {  	v5 =	vld [tilespmem:s16+$0xFFFFFF80];
	v4 =	vor.u32 v3, v4;
	_ =	sdelay $0x4  }
0x1c2: {  	[tilespmem:v4+s23+$0x0] =	vst.idx.msk $0xfff, v5  }
0x1c3: {  	v4 =	vld [tilespmem:s16+$0xFFFFFFE0];
	_ =	sdelay $0x3  }
0x1c4: {  	s20 =	simm.s32 $0x7  }
0x1c5: {  	[tilespmem:s17+$0x380] =	vst v4;
	v4 =	vmov s20  }
0x1c6: {  	v5 =	vld [tilespmem:s16+$0xFFFFFFF0];
	v4 =	vshrl.u32 v4, $0x3  }
0x1c7: {  	v4 =	vmul.u32 $0xC00, v4;
	_ =	sdelay $0x1  }
0x1c8: {  	v4 =	vadd.s32 $0xB80, v4  }
0x1c9: {  	v6 =	vbroadcast v4, $0x0  }
0x1ca: {  	[tilespmem:s17+$0x390] =	vst v5  }
0x1cb: {  	s18 =	simm.s32 $0x8;
	v4 =	vld [tilespmem:s16+$0x0];
	v5 =	vor.u32 v3, v6  }
.LBB2_7:
0x1cc: {  	_ =	sdelay $0x3  }
0x1cd: {  	p0 =	slt.u32 s18, $0x48;
	s17 =	sadd.s32 $0xC00, s17;
	s16 =	sadd.s32 $0x400, s16;
	[tilespmem:v5+s23+$0x0] =	vst.idx.msk $0xfff, v4  }
0x1ce: {  	s19 =	smov.u32 s18;
	s18 =	sadd.s32 $0x8, s18;
	v4 =	vld [tilespmem:s16+$0xFFFFFC60];
	_ =	sdelay $0x4  }
0x1cf: {  	[tilespmem:s17+$0x0] =	vst v4;
	v4 =	vmov s19  }
0x1d0: {  	v5 =	vld [tilespmem:s16+$0xFFFFFC70];
	v4 =	vshrl.u32 v4, $0x3  }
0x1d1: {  	v4 =	vmul.u32 $0xC00, v4;
	_ =	sdelay $0x1  }
0x1d2: {  	v4 =	vadd.s32 $0x800, v4  }
0x1d3: {  	v4 =	vbroadcast v4, $0x0  }
0x1d4: {  	[tilespmem:s17+$0x10] =	vst v5  }
0x1d5: {  	v5 =	vld [tilespmem:s16+$0xFFFFFC80];
	v4 =	vor.u32 v3, v4;
	_ =	sdelay $0x4  }
0x1d6: {  	[tilespmem:v4+s23+$0x0] =	vst.idx.msk $0xfff, v5  }
0x1d7: {  	v4 =	vld [tilespmem:s16+$0xFFFFFCE0];
	_ =	sdelay $0x3  }
0x1d8: {  	s20 =	sadd.s32 $0x1, s19  }
0x1d9: {  	[tilespmem:s17+$0x80] =	vst v4;
	v4 =	vmov s20  }
0x1da: {  	v5 =	vld [tilespmem:s16+$0xFFFFFCF0];
	v4 =	vshrl.u32 v4, $0x3  }
0x1db: {  	v4 =	vmul.u32 $0xC00, v4;
	_ =	sdelay $0x1  }
0x1dc: {  	v4 =	vadd.s32 $0x880, v4  }
0x1dd: {  	v4 =	vbroadcast v4, $0x0  }
0x1de: {  	[tilespmem:s17+$0x90] =	vst v5  }
0x1df: {  	v5 =	vld [tilespmem:s16+$0xFFFFFD00];
	v4 =	vor.u32 v3, v4;
	_ =	sdelay $0x4  }
0x1e0: {  	[tilespmem:v4+s23+$0x0] =	vst.idx.msk $0xfff, v5  }
0x1e1: {  	v4 =	vld [tilespmem:s16+$0xFFFFFD60];
	_ =	sdelay $0x3  }
0x1e2: {  	s20 =	sadd.s32 $0x2, s19  }
0x1e3: {  	[tilespmem:s17+$0x100] =	vst v4;
	v4 =	vmov s20  }
0x1e4: {  	v5 =	vld [tilespmem:s16+$0xFFFFFD70];
	v4 =	vshrl.u32 v4, $0x3  }
0x1e5: {  	v4 =	vmul.u32 $0xC00, v4;
	_ =	sdelay $0x1  }
0x1e6: {  	v4 =	vadd.s32 $0x900, v4  }
0x1e7: {  	v4 =	vbroadcast v4, $0x0  }
0x1e8: {  	[tilespmem:s17+$0x110] =	vst v5  }
0x1e9: {  	v5 =	vld [tilespmem:s16+$0xFFFFFD80];
	v4 =	vor.u32 v3, v4;
	_ =	sdelay $0x4  }
0x1ea: {  	[tilespmem:v4+s23+$0x0] =	vst.idx.msk $0xfff, v5  }
0x1eb: {  	v4 =	vld [tilespmem:s16+$0xFFFFFDE0];
	_ =	sdelay $0x3  }
0x1ec: {  	s20 =	sadd.s32 $0x3, s19  }
0x1ed: {  	[tilespmem:s17+$0x180] =	vst v4;
	v4 =	vmov s20  }
0x1ee: {  	v5 =	vld [tilespmem:s16+$0xFFFFFDF0];
	v4 =	vshrl.u32 v4, $0x3  }
0x1ef: {  	v4 =	vmul.u32 $0xC00, v4;
	_ =	sdelay $0x1  }
0x1f0: {  	v4 =	vadd.s32 $0x980, v4  }
0x1f1: {  	v4 =	vbroadcast v4, $0x0  }
0x1f2: {  	[tilespmem:s17+$0x190] =	vst v5  }
0x1f3: {  	v5 =	vld [tilespmem:s16+$0xFFFFFE00];
	v4 =	vor.u32 v3, v4;
	_ =	sdelay $0x4  }
0x1f4: {  	[tilespmem:v4+s23+$0x0] =	vst.idx.msk $0xfff, v5  }
0x1f5: {  	v4 =	vld [tilespmem:s16+$0xFFFFFE60];
	_ =	sdelay $0x3  }
0x1f6: {  	s20 =	sadd.s32 $0x4, s19  }
0x1f7: {  	[tilespmem:s17+$0x200] =	vst v4;
	v4 =	vmov s20  }
0x1f8: {  	v5 =	vld [tilespmem:s16+$0xFFFFFE70];
	v4 =	vshrl.u32 v4, $0x3  }
0x1f9: {  	v4 =	vmul.u32 $0xC00, v4;
	_ =	sdelay $0x1  }
0x1fa: {  	v4 =	vadd.s32 $0xA00, v4  }
0x1fb: {  	v4 =	vbroadcast v4, $0x0  }
0x1fc: {  	[tilespmem:s17+$0x210] =	vst v5  }
0x1fd: {  	v5 =	vld [tilespmem:s16+$0xFFFFFE80];
	v4 =	vor.u32 v3, v4;
	_ =	sdelay $0x4  }
0x1fe: {  	[tilespmem:v4+s23+$0x0] =	vst.idx.msk $0xfff, v5  }
0x1ff: {  	v4 =	vld [tilespmem:s16+$0xFFFFFEE0];
	_ =	sdelay $0x3  }
0x200: {  	s20 =	sadd.s32 $0x5, s19  }
0x201: {  	[tilespmem:s17+$0x280] =	vst v4;
	v4 =	vmov s20  }
0x202: {  	v5 =	vld [tilespmem:s16+$0xFFFFFEF0];
	v4 =	vshrl.u32 v4, $0x3  }
0x203: {  	v4 =	vmul.u32 $0xC00, v4;
	_ =	sdelay $0x1  }
0x204: {  	v4 =	vadd.s32 $0xA80, v4  }
0x205: {  	v4 =	vbroadcast v4, $0x0  }
0x206: {  	[tilespmem:s17+$0x290] =	vst v5  }
0x207: {  	v5 =	vld [tilespmem:s16+$0xFFFFFF00];
	v4 =	vor.u32 v3, v4;
	_ =	sdelay $0x4  }
0x208: {  	[tilespmem:v4+s23+$0x0] =	vst.idx.msk $0xfff, v5  }
0x209: {  	v4 =	vld [tilespmem:s16+$0xFFFFFF60];
	_ =	sdelay $0x3  }
0x20a: {  	s20 =	sadd.s32 $0x6, s19  }
0x20b: {  	[tilespmem:s17+$0x300] =	vst v4;
	v4 =	vmov s20  }
0x20c: {  	v5 =	vld [tilespmem:s16+$0xFFFFFF70];
	v4 =	vshrl.u32 v4, $0x3  }
0x20d: {  	v4 =	vmul.u32 $0xC00, v4;
	_ =	sdelay $0x1  }
0x20e: {  	v4 =	vadd.s32 $0xB00, v4  }
0x20f: {  	v4 =	vbroadcast v4, $0x0  }
0x210: {  	[tilespmem:s17+$0x310] =	vst v5  }
0x211: {  	v5 =	vld [tilespmem:s16+$0xFFFFFF80];
	v4 =	vor.u32 v3, v4;
	_ =	sdelay $0x4  }
0x212: {  	[tilespmem:v4+s23+$0x0] =	vst.idx.msk $0xfff, v5  }
0x213: {  	v4 =	vld [tilespmem:s16+$0xFFFFFFE0];
	_ =	sdelay $0x3  }
0x214: {  	s19 =	sadd.s32 $0x7, s19  }
0x215: {  	[tilespmem:s17+$0x380] =	vst v4;
	v4 =	vmov s19  }
0x216: {  	v5 =	vld [tilespmem:s16+$0xFFFFFFF0];
	v4 =	vshrl.u32 v4, $0x3  }
0x217: {  	v4 =	vmul.u32 $0xC00, v4  }
.Ltmp2:
0x218: {  	(pc) =	sbr.rel @p0 .LBB2_7-.Ltmp2, $4  }
0x219: {  	v4 =	vadd.s32 $0xB80, v4  }
0x21a: {  	v6 =	vbroadcast v4, $0x0  }
0x21b: {  	[tilespmem:s17+$0x390] =	vst v5  }
0x21c: {  	v4 =	vld [tilespmem:s16+$0x0];
	v5 =	vor.u32 v3, v6  }
0x21d: {  	_ = 	snop  }
0x21e: {  	s15 =	smul.u32 $0x50, s15  }
0x21f: {  	s14 =	sadd.s32 $0x1, s14  }
0x220: {  	p0 =	sne.s32 s14, $0xA0;
	s15 =	sadd.s32 s6, s15  }
.Ltmp3:
0x221: {  	s15 =	sshrl.u32 s15, $0x3;
	[tilespmem:v5+s23+$0x0] =	vst.idx.msk $0xfff, v4;
	(pc) =	sbr.rel @p0 .LBB2_2-.Ltmp3, $4  }
0x222: {  	s15 =	smul.u32 $0x180, s15;
	_ =	swait.ge [sflag:s11], $0x5000  }
0x223: {  	[sflag:s11] =	ssyncset.done $0x0  }
0x224: {  	s15 =	sadd.s32 s5, s15;
	[sflag:s11] =	ssyncadd.s32 $0xFFFFB000  }
0x225: {  	[hbm4b:s15+s3] =	stream.linear.scatter [tilespmem:s23], [sflag:$0x6], $0x7800, $0x38;
	[tilespmem:$0x1E000] =	vst v63  }
0x226: {  	_ =	swait.ge [sflag:s13], $0x7800  }
0x227: {  	[sflag:s13] =	ssyncset.done $0x0  }
0x228: {  	s15 =	simm.s32 $0x6;
	[sflag:s13] =	ssyncadd.s32 $0xFFFF8800  }
0x229: {  	_ =	swait.ge [sflag:s15], $0x7800  }
0x22a: {  	s16 =	rddreg [dreg:$0x5]  }
0x22b: {  	s14 =	rddreg [dreg:$0x4];
	s16 =	sadd.s32 $0x1, s16  }
0x22c: {  	p0 =	sne.s32 s16, s14  }
.Ltmp4:
0x22d: {  	_ = 	snop;
	(pc) =	sbr.rel @p0 .LBB2_1-.Ltmp4, $3  }
0x22e: {  	_ =	sdelay $0x1  }
0x22f: {  	[sflag:s15] =	ssyncset.done $0x0  }
0x230: {  	[sflag:s15] =	ssyncadd.s32 $0xFFFF8800  }
0x231: {  	_ =	sfence.sel $0x180000  }
0x232: {  	[bflag:$0x0] =	sbarrier.arrive $0xFFFF  }
0x233: {  	_ =	strace $0x90000047  }
0x234: {  	s0 =	stileid.u32;
	[bflag:$0x2] =	sbarrier.arrive $0xFFFF  }
0x235: {  	p0 =	sne.s32 s0, $0x0;
	s0 =	rddreg [dreg:$0x2]  }
0x236: {  	s0 =	sadd.s32 @!p0 $0x100000, s0  }
0x237: {  	[sflag:s0] =	ssyncadd.tile.s32 @!p0 $0x1;
	_ =	shalt  }
.Lfunc_end2:
_tile_overlayer_lowered:
.L_overlay_start_2:
0x238: {  	(tag) =	ssettag $0x2  }
0x239: {  	s0 =	rddreg [dreg:$0x0];
	s2 =	stileid.u32  }
0x23a: {  	s1 =	rddreg [dreg:$0x1];
	p0 =	sne.s32 s2, $0x0  }
0x23b: {  	s3 =	rddreg [dreg:$0x2];
	[bflag:$0x3] =	sbarrier.arrive $0xFFFF;
	s2 =	simm.s32 @!p0 $0x1C07  }
0x23c: {  	[timem:s3], [sflag:s2] =	dma.local @!p0 [hbm:s0], s1  }
0x23d: {  	s0 =	simm.s32 @!p0 $0x7  }
0x23e: {  	_ =	swait.ge @!p0 [sflag:s0], s1  }
0x23f: {  	s1 =	ssub.s32 @!p0 $0x0, s1;
	[sflag:s0] =	ssyncset.done @!p0 $0x0  }
0x240: {  	[sflag:s0] =	ssyncadd.s32 @!p0 s1  }
0x241: {  	[bflag:$0x3] =	sbarrier.arrive $0xFFFF  }
0x242: {  	_ =	shalt  }

// kernel: sparse-core-data-format-call.cloned.1.call-start
scs
called_computation_lowered:
.L_overlay_start_0:
0x0: {  	s2 =	sld [smem:$0x3FD9]  }
0x1: {  	s3 =	sld [smem:$0x3FFE];
	_ =	sdelay $0x1  }
0x2: {  	s1 =	srdreg.scid  }
0x3: {  	s0 =	sand.u32 $0x1, s1  }
0x4: {  	s15 =	sshll.u32 s0, $0xA;
	s2 =	sadd.s32 s3, s2  }
0x5: {  	s2 =	sadd.s32 s2, s15  }
0x6: {  	[smem:$0x3FC6] =	sst s2  }
0x7: {  	_ = 	snop  }
0x8: {  	s2 =	sld [smem:$0x3FD0];
	_ =	sdelay $0x2  }
0x9: {  	s16 =	simm.s32 $0xA;
	s4 =	simm.s32 $0x10  }
0xa: {  	[smem:s4], [sflag:s16] =	dma.local [hbm:s2], $0x1  }
0xb: {  	_ =	swait.eq [sflag:s16], $0x1  }
0xc: {  	[sflag:s16] =	ssyncset.done $0x0  }
0xd: {  	[sflag:s16] =	ssyncadd.s32 $0xFFFFFFFF  }
0xe: {  	s17 =	sld [smem:$0x10];
	(tm) =	ssettm $0x1  }
0xf: {  	s18 =	sld [smem:$0x3FFB];
	_ =	sdelay $0x3  }
0x10: {  	_ =	strace s18  }
0x11: {  	s3 =	sld [smem:$0x3FFC];
	_ =	sdelay $0x3  }
0x12: {  	_ =	strace s3  }
0x13: {  	s3 =	sld [smem:$0x3FFD];
	_ =	sdelay $0x3  }
0x14: {  	_ =	strace s3  }
0x15: {  	_ =	strace $0x8FFFFFFF  }
0x16: {  	s19 =	sld [smem:$0x3FDB];
	_ =	sdelay $0x1  }
0x17: {  	s20 =	simm.s32 $_scs_section_size  }
0x18: {  	s5 =	simm.s32 $_size__tile_overlayer_lowered;
	s6 =	simm.s32 $_tile_overlayer_lowered  }
0x19: {  	s23 =	simm.s32 $0x1BFF;
	s22 =	sshll.u32 s6, $0x1;
	s3 =	sadd.s32 s20, s19  }
0x1a: {  	s7 =	simm.s32 $0x0;
	s21 =	sshll.u32 s5, $0x1;
	s5 =	sadd.s32 s22, s3  }
0x1b: {  	[timem:s7], [sflag:s23] =	dma.local [hbm:s5], s21  }
0x1c: {  	_ =	swait.ge [sflag:s23], s21  }
0x1d: {  	s4 =	ssub.s32 $0x0, s21;
	[sflag:s23] =	ssyncset.done $0x0  }
0x1e: {  	[sflag:s23] =	ssyncadd.s32 s4;
	_ =	sdelay $0x1  }
0x1f: {  	s24 =	simm.s32 $0x1B8B  }
0x20: {  	_ =	swait.ge [sflag:s24], $0x1  }
0x21: {  	[sflag:s24] =	ssyncset.done $0x0  }
0x22: {  	s26 =	simm.s32 $0x1B8E;
	s25 =	sld [smem:$0x3FFE];
	[sflag:s24] =	ssyncadd.s32 $0xFFFFFFFF  }
0x23: {  	s27 =	simm.s32 $execute0_lowered;
	[smem:$0x3FD2] =	sst s26  }
0x24: {  	s5 =	sshll.u32 s27, $0x1;
	_ =	strace $0x80000049;
	[dreg:$0x1] =	wrdreg $0xFFFFFFFF  }
0x25: {  	s28 =	simm.s32 $_size_execute0_lowered;
	s3 =	sadd.s32 s3, s5;
	[dreg:$0x0] =	wrdreg $0x0  }
0x26: {  	s5 =	sshll.u32 s28, $0x1;
	[dreg:$0x2] =	wrdreg s3  }
0x27: {  	[dreg:$0x3] =	wrdreg s5  }
0x28: {  	[dreg:$0x4] =	wrdreg $0xC0  }
0x29: {  	_ =	task [dreg:s7], $0x5FFFF  }
0x2a: {  	[dreg:$0x1] =	wrdreg $0xFFFFFFFF  }
0x2b: {  	[dreg:$0x0] =	wrdreg $0x60  }
0x2c: {  	[dreg:$0x2] =	wrdreg s25  }
0x2d: {  	[dreg:$0x3] =	wrdreg s17  }
0x2e: {  	[dreg:$0x4] =	wrdreg $0x9  }
0x2f: {  	_ =	task.clear_ibuf [dreg:s7], $0x5FFFF;
	_ =	strace $0x90000049  }
0x30: {  	s29 =	simm.s32 $0x9;
	_ =	strace $0x8000004B  }
0x31: {  	_ =	swait.ge [sflag:s29], $0x1  }
0x32: {  	[sflag:s29] =	ssyncadd.s32 $0xFFFFFFFF  }
0x33: {  	_ =	strace $0x9000004B  }
0x34: {  	_ =	sfence  }
0x35: {  	s30 =	sld [smem:$0x0];
	_ =	sdelay $0x2  }
0x36: {  	s31 =	sshll.u32 s1, $0xD;
	s1 =	sshrl.u32 s1, $0x2  }
0x37: {  	s3 =	sand.u32 $0x4000, s31;
	s1 =	sadd.s32 s1, s30  }
0x38: {  	s0 =	sor.u32 s3, s0;
	s1 =	sshll.u32 s1, $0x11  }
0x39: {  	s0 =	sor.u32 s1, s0  }
0x3a: {  	s0 =	sadd.s32 $0x8F2B, s0  }
0x3b: {  	[sflag:s0] =	ssyncadd.remote.s32 $0x1  }
0x3c: {  	_ =	sfence.sel $0xFFFF  }
0x3d: {  	[dreg:$0x0] =	wrdreg $0xFFFFFFFF;
	(pc) =	sbr.abs _section_cstart, $3  }
0x3e: {  	[dreg:$0x1] =	wrdreg $0xFFFFFFFF  }
0x3f: {  	_ =	task.clear_ibuf [dreg:s7], $0x2FFFF;
	_ =	strace $0x9FFFFFFF  }
0x40: {  	(tm) =	ssettm $0x7FFFFFFF  }
0x41: {  	_ =	shalt  }
tec
execute0_lowered:
.L_overlay_start_1:
0x0: {  	(tag) =	ssettag $0x1  }
0x1: {  	s0 =	srdreg.scid;
	s6 =	rddreg [dreg:$0x0]  }
0x2: {  	s3 =	rddreg [dreg:$0x1];
	s1 =	sshll.u32 s0, $0x4  }
0x3: {  	s5 =	simm.s32 $0x1;
	s0 =	stileid.u32;
	s1 =	sand.u32 $0x10, s1  }
0x4: {  	s31 =	simm.s32 $0x2;
	s18 =	simm.s32 $0x0;
	s1 =	sor.u32 s0, s1  }
0x5: {  	s8 =	simm.s32 $0xC8000;
	s17 =	simm.s32 $0x0;
	s2 =	sshll.u32 s1, $0x7  }
0x6: {  	s16 =	simm.s32 $0x0;
	s9 =	simm.s32 $0x0;
	s4 =	ssub.s32 $0x1000, s2  }
0x7: {  	s10 =	simm.s32 $0x0;
	s11 =	simm.s32 $0x0;
	s30 =	sand.u32 $0xF80, s4  }
0x8: {  	s12 =	simm.s32 $0x0;
	s13 =	simm.s32 $0x0;
	p0 =	sne.s32 s30, $0x0  }
.Ltmp0:
0x9: {  	s7 =	sshrl.u32 s4, $0xC;
	s5 =	simm.s32 @!p0 $0x0;
	(pc) =	sbr.rel .LBB1_1-.Ltmp0, $4  }
0xa: {  	s15 =	simm.s32 $0x0;
	s1 =	rddreg [dreg:$0x2];
	s5 =	sadd.s32 s5, s7  }
0xb: {  	_ =	strace $0x8000004A;
	s4 =	simm.s32 $0x1;
	s5 =	smul.u32 $0x258, s5  }
0xc: {  	s6 =	sadd.s32 $0x335E00, s6;
	s14 =	smov.u32 s2;
	[sflag:s4] =	ssyncpa.u1 $0x0  }
0xd: {  	[sflag:s31] =	ssyncpa.u1 $0x0;
	p0 =	por $0x0, $0x0;
	s7 =	sor.u32 $0x1, s5  }
.LBB1_4:
0xe: {  	s23 =	sshra.s32 s23, $0x2;
	s24 =	sshll.u32 s10, $0xC  }
0xf: {  	p1 =	sgt.s32 s10, $0xC7;
	s26 =	smov.u32 s10;
	s27 =	sshra.s32 s10, $0x1F  }
0x10: {  	s28 =	smov.u32 s9;
	s29 =	sshra.s32 s11, $0x1F;
	s22 =	sadd.s32 s23, s22  }
0x11: {  	s30 =	sand.u32 $0xFFFF8000, s24;
	s24 =	sshll.u32 s11, $0x3;
	s26 =	simm.s32 @!p1 $0xC7  }
0x12: {  	p1 =	sgt.s32 s9, $0xAC;
	s27 =	sand.u32 s27, s10;
	s31 =	sand.u32 s29, s11  }
0x13: {  	s29 =	sshll.u32 s10, $0x7;
	s25 =	sand.u32 $0xFFFFFC00, s24;
	s28 =	simm.s32 @!p1 $0xAC  }
0x14: {  	p1 =	sgt.s32 s11, $0xF80;
	s23 =	sadd.s32 s25, s30;
	s25 =	ssub.s32 s26, s27  }
0x15: {  	[tilespmem:s21+$0x2040 ss:$0x81] =	vst.msk $0xffff, v4;
	s27 =	smov.u32 s11;
	s30 =	sshra.s32 s9, $0x1F;
	s26 =	sadd.s32 $0xFFFFFF39, s25  }
0x16: {  	v5 =	vld [tilespmem:s20+$0xFFFFFFD0];
	[tilespmem:s21+$0x2850 ss:$0x81] =	vst.msk $0xffff, v3;
	s27 =	simm.s32 @!p1 $0xF80;
	s23 =	sshrl.u32 s23, $0xC;
	s25 =	ssub.s32 $0xC8, s25  }
0x17: {  	v58 =	vld [tilespmem:s20+$0xFFFFFFE0];
	[tilespmem:s21+$0x3060 ss:$0x81] =	vst.msk $0xffff, v2;
	p1 =	sgt.s32 s26, $0x0;
	s26 =	ssub.s32 s27, s31;
	s27 =	sand.u32 s30, s9  }
0x18: {  	v59 =	vld [tilespmem:s20+$0xFFFFFFF0];
	[tilespmem:s21+$0x0 ss:$0x81] =	vst.msk $0xffff, v1;
	s21 =	smulhi.u32 $0x147AE15, s23;
	s30 =	sand.u32 $0x78, s11;
	s27 =	ssub.s32 s28, s27  }
0x19: {  	v60 =	vld [tilespmem:s20+$0x0];
	s25 =	simm.s32 @p1 $0x0;
	s31 =	sadd.s32 $0xFFFFF080, s26;
	s26 =	ssub.s32 $0x1000, s26  }
0x1a: {  	v61 =	vld [tilespmem:s20+$0x10];
	[tilespmem:s22+$0x3870 ss:$0x81] =	vst.msk $0xffff, v0;
	p1 =	sgt.s32 s31, $0x7F;
	s28 =	sadd.s32 $0xFFFFFF54, s27;
	s31 =	sand.u32 $0x380, s29  }
0x1b: {  	v62 =	vld [tilespmem:s20+$0x20];
	[tilespmem:s22+$0x810 ss:$0x81] =	vst.msk $0xffff, v5;
	s29 =	sand.u32 $0xC00, s24;
	s21 =	smul.u32 $0xC8, s21;
	s24 =	ssub.s32 $0x12C, s27  }
0x1c: {  	v63 =	vld [tilespmem:s20+$0xFFFFFFC0];
	[tilespmem:s22+$0x1020 ss:$0x81] =	vst.msk $0xffff, v58;
	s26 =	simm.s32 @p1 $0x0;
	s20 =	sor.u32 s30, s29;
	s30 =	smul.u32 $0x19000, s9  }
0x1d: {  	[tilespmem:s22+$0x1830 ss:$0x81] =	vst.msk $0xffff, v59;
	p1 =	sgt.s32 s28, $0x7F;
	s28 =	sand.u32 $0x7, s11;
	s25 =	smul.u32 s26, s25  }
0x1e: {  	[tilespmem:s22+$0x2040 ss:$0x81] =	vst.msk $0xffff, v60;
	s24 =	simm.s32 @p1 $0x0;
	s20 =	sor.u32 s31, s20;
	s21 =	ssub.s32 s23, s21  }
0x1f: {  	[tilespmem:s22+$0x2850 ss:$0x81] =	vst.msk $0xffff, v61;
	s20 =	sshrl.u32 s20, $0x3;
	s27 =	sadd.s32 s3, s30;
	s31 =	smul.u32 s24, s25  }
0x20: {  	[tilespmem:s22+$0x3060 ss:$0x81] =	vst.msk $0xffff, v62;
	s29 =	sshll.u32 s28, $0x12;
	s21 =	sshll.u32 s21, $0x9;
	s20 =	sadd.s32 s20, s27  }
0x21: {  	[tilespmem:s22+$0x0 ss:$0x81] =	vst.msk $0xffff, v63;
	s20 =	sadd.s32 s21, s20;
	s30 =	sand.u32 $0x3FFFFFFF, s31;
	s31 =	sor.u32 $0x80, s29  }
0x22: {  	[hbm4b:s20+s31] =	stream.strided.scatter [tilespmem:s19], [sflag:$0x2], s30, s8, s31, $0x20;
	[tilespmem:$0x10100] =	vst v63  }
.LBB1_5:
0x23: {  	p1 =	slt.u32 s15, $0x2  }
0x24: {  	p2 =	sgt.s32 @!p1 s18, $0xAC  }
0x25: {  	s19 =	smov.u32 s18;
	s20 =	sshra.s32 @!p1 s18, $0x1F;
	p2 =	por !p2, p1  }
0x26: {  	s18 =	sand.u32 @!p1 s20, s18;
	s19 =	simm.s32 @p2 $0xAC  }
0x27: {  	s20 =	sshra.s32 @!p1 s17, $0x1F;
	p2 =	sgt.s32 @!p1 s17, $0xC7;
	s18 =	ssub.s32 @!p1 s19, s18  }
0x28: {  	p2 =	por !p2, p1;
	s19 =	smov.u32 s17;
	s17 =	sand.u32 @!p1 s20, s17  }
0x29: {  	s20 =	sshra.s32 @!p1 s16, $0x1F;
	s19 =	simm.s32 @p2 $0xC7;
	p2 =	sgt.s32 @!p1 s16, $0xF80  }
0x2a: {  	s17 =	ssub.s32 @!p1 s19, s17;
	p2 =	por !p2, p1;
	s19 =	smov.u32 s16  }
0x2b: {  	s16 =	sand.u32 @!p1 s20, s16;
	s20 =	sadd.s32 @!p1 $0xFFFFFF39, s17;
	s19 =	simm.s32 @p2 $0xF80  }
0x2c: {  	p2 =	sgt.s32 @!p1 s20, $0x0;
	s16 =	ssub.s32 @!p1 s19, s16  }
0x2d: {  	s17 =	ssub.s32 @!p1 $0xC8, s17;
	p2 =	por !p2, p1;
	s19 =	sadd.s32 @!p1 $0xFFFFF080, s16  }
0x2e: {  	s17 =	simm.s32 @!p2 $0x0;
	p2 =	sgt.s32 @!p1 s19, $0x7F  }
0x2f: {  	s21 =	smov.u32 s14;
	s16 =	ssub.s32 @!p1 $0x1000, s16;
	p2 =	por !p2, p1  }
0x30: {  	s20 =	sadd.s32 @!p1 $0xFFFFFF54, s18;
	s19 =	sadd.s32 $0x80, s12;
	s16 =	simm.s32 @!p2 $0x0  }
0x31: {  	p2 =	sgt.s32 s19, $0x12B;
	s16 =	smul.u32 @!p1 s16, s17;
	s17 =	simm.s32 $0x1  }
0x32: {  	p0 =	por !p0, !p0;
	p3 =	sgt.s32 @!p1 s20, $0x7F;
	s17 =	simm.s32 @!p2 $0x0  }
0x33: {  	s18 =	ssub.s32 @!p1 $0x12C, s18;
	p3 =	por !p3, p1;
	s20 =	sadd.s32 s17, s13  }
0x34: {  	s18 =	simm.s32 @!p3 $0x0;
	s17 =	sadd.s32 $0x1000, s14;
	p3 =	sgt.s32 s20, $0xC7  }
0x35: {  	s22 =	simm.s32 @!p1 $0x2;
	s19 =	simm.s32 @p2 $0x0;
	s21 =	smov.u32 @p3 s17  }
0x36: {  	s16 =	smul.u32 @!p1 s18, s16;
	s18 =	smov.u32 s9;
	p2 =	sgt.s32 s21, $0xFFF  }
0x37: {  	s9 =	smov.u32 s12;
	s21 =	smov.u32 @p2 s2;
	p2 =	sne.s32 s15, s7  }
.Ltmp1:
0x38: {  	s12 =	smov.u32 s19;
	s16 =	sand.u32 @!p1 $0x3FFFFFFF, s16;
	(pc) =	sbr.rel @!p2 .LBB1_6-.Ltmp1, $4  }
0x39: {  	s20 =	simm.s32 @p3 $0x0;
	s17 =	smov.u32 s10;
	s10 =	smov.u32 s13  }
0x3a: {  	_ =	swait.ge @!p1 [sflag:s22], s16;
	s23 =	ssub.s32 @!p1 $0x0, s16;
	s16 =	smov.u32 s11  }
0x3b: {  	s11 =	smov.u32 s14;
	s13 =	smov.u32 s20;
	[sflag:s22] =	ssyncset.done @!p1 $0x0  }
0x3c: {  	s15 =	sadd.s32 $0x1, s15;
	[sflag:s22] =	ssyncadd.s32 @!p1 s23;
	s14 =	smov.u32 s21  }
.LBB1_1:
0x3d: {  	p1 =	sge.u32 s15, s5  }
0x3e: {  	s19 =	sshrl.u32 @!p1 s13, $0x3  }
0x3f: {  	s20 =	sshll.u32 @!p1 s12, $0x3;
	s19 =	smul.u32 @!p1 $0xC00, s19  }
0x40: {  	s21 =	sshll.u32 @!p1 s13, $0x7;
	s20 =	sand.u32 @!p1 $0xFFFFFC00, s20  }
0x41: {  	s19 =	sadd.s32 @!p1 s19, s20;
	s20 =	sand.u32 @!p1 $0x380, s21  }
0x42: {  	s19 =	sor.u32 @!p1 s20, s19  }
0x43: {  	s20 =	sand.u32 @!p1 $0x7F, s12;
	s21 =	smulhi.u32 @!p1 $0xAAAAAAAB, s19  }
0x44: {  	s19 =	sor.u32 @!p1 s20, s19  }
0x45: {  	s20 =	smulhi.u32 @!p1 $0xAAAAAAAB, s19;
	s21 =	sshrl.u32 @!p1 s21, $0x8  }
0x46: {  	s22 =	smulhi.u32 @!p1 $0x147AE15, s21;
	_ =	sdelay $0x1  }
0x47: {  	s20 =	sshrl.u32 @!p1 s20, $0x8;
	s22 =	smul.u32 @!p1 $0xC8, s22  }
0x48: {  	s31 =	sadd.s32 $0xFFFFFFFF, s15;
	s20 =	smul.u32 @!p1 $0x180, s20  }
0x49: {  	s23 =	sxor.u32 @!p1 $0xFFFFFFFF, s15;
	s21 =	ssub.s32 @!p1 s21, s22;
	s22 =	smul.u32 @!p1 $0x2580, s14  }
0x4a: {  	s23 =	sshll.u32 @!p1 s23, $0xE;
	s19 =	ssub.s32 @!p1 s19, s20;
	s20 =	smul.u32 @!p1 $0x30, s21  }
0x4b: {  	s21 =	sand.u32 @!p1 $0x4000, s23;
	s23 =	sand.u32 @!p1 $0x7, s19;
	s22 =	sadd.s32 @!p1 s6, s22  }
0x4c: {  	s19 =	sshrl.u32 @!p1 s19, $0x3;
	s20 =	sadd.s32 @!p1 s20, s22;
	s22 =	sshll.u32 @!p1 s23, $0x12  }
0x4d: {  	s19 =	sadd.s32 @!p1 s19, s20;
	s20 =	sor.u32 @!p1 $0x80, s22;
	s22 =	simm.s32 @!p1 $0x12C00  }
0x4e: {  	[tilespmem:s21], [sflag:$0x1] =	stream.strided.gather @!p1 [hbm4b:s19+s20], $0x4000, s22, s20, $0x38;
	[tilespmem:$0x10100] =	vst v63  }
0x4f: {  	p1 =	sge.u32 s31, s5  }
.Ltmp2:
0x50: {  	_ = 	snop;
	(pc) =	sbr.rel @p1 .LBB1_5-.Ltmp2, $1  }
0x51: {  	_ =	sdelay $0x3  }
0x52: {  	s19 =	simm.s32 $0x1  }
0x53: {  	_ =	swait.ge [sflag:s4], $0x4000;
	s19 =	simm.s32 @!p0 $0x0  }
0x54: {  	[sflag:s4] =	ssyncset.done $0x0;
	s20 =	sshll.u32 s19, $0xE  }
0x55: {  	[sflag:s4] =	ssyncadd.s32 $0xFFFFC000;
	s20 =	sor.u32 $0x40, s20  }
0x56: {  	s19 =	smul.u32 $0x10200, s19;
	v0 =	vld [tilespmem:s20+$0x30]  }
0x57: {  	v1 =	vld [tilespmem:s20+$0xFFFFFFD0]  }
0x58: {  	s19 =	sshrl.u32 s19, $0x2;
	v5 =	vld [tilespmem:s20+$0xFFFFFFE0]  }
0x59: {  	v6 =	vld [tilespmem:s20+$0xFFFFFFF0];
	s22 =	sor.u32 $0x8000, s19  }
0x5a: {  	s31 =	sand.u32 $0x1, s15;
	v4 =	vld [tilespmem:s20+$0x0];
	s21 =	sadd.s32 $0x0, s22  }
0x5b: {  	v3 =	vld [tilespmem:s20+$0x10];
	s19 =	smul.u32 $0x10200, s31;
	[tilespmem:s21+$0x3870 ss:$0x81] =	vst.msk $0xffff, v0  }
0x5c: {  	v2 =	vld [tilespmem:s20+$0x20];
	[tilespmem:s21+$0x810 ss:$0x81] =	vst.msk $0xffff, v1  }
0x5d: {  	s19 =	sshrl.u32 s19, $0x2;
	v1 =	vld [tilespmem:s20+$0xFFFFFFC0];
	[tilespmem:s21+$0x1020 ss:$0x81] =	vst.msk $0xffff, v5;
	s20 =	sadd.s32 $0x80, s20  }
0x5e: {  	s23 =	simm.s32 $0x4;
	s24 =	simm.s32 $0x8;
	s19 =	sor.u32 $0x8000, s19;
	[tilespmem:s21+$0x1830 ss:$0x81] =	vst.msk $0xffff, v6;
	v0 =	vld [tilespmem:s20+$0x30]  }
.LBB1_3:
0x5f: {  	p1 =	sne.s32 s24, $0x1FC;
	v5 =	vld [tilespmem:s20+$0xFFFFFFD0];
	[tilespmem:s21+$0x2040 ss:$0x81] =	vst.msk $0xffff, v4  }
0x60: {  	v6 =	vld [tilespmem:s20+$0xFFFFFFE0];
	[tilespmem:s21+$0x2850 ss:$0x81] =	vst.msk $0xffff, v3  }
0x61: {  	s25 =	sshra.s32 s23, $0x2;
	s23 =	smov.u32 s24;
	v7 =	vld [tilespmem:s20+$0xFFFFFFF0];
	[tilespmem:s21+$0x3060 ss:$0x81] =	vst.msk $0xffff, v2  }
.Ltmp3:
0x62: {  	v4 =	vld [tilespmem:s20+$0x0];
	[tilespmem:s21+$0x0 ss:$0x81] =	vst.msk $0xffff, v1;
	s21 =	sadd.s32 s25, s22;
	(pc) =	sbr.rel @p1 .LBB1_3-.Ltmp3, $4  }
0x63: {  	v3 =	vld [tilespmem:s20+$0x10];
	[tilespmem:s21+$0x3870 ss:$0x81] =	vst.msk $0xffff, v0  }
0x64: {  	[tilespmem:s21+$0x810 ss:$0x81] =	vst.msk $0xffff, v5;
	v2 =	vld [tilespmem:s20+$0x20]  }
0x65: {  	v1 =	vld [tilespmem:s20+$0xFFFFFFC0];
	[tilespmem:s21+$0x1020 ss:$0x81] =	vst.msk $0xffff, v6;
	s20 =	sadd.s32 $0x80, s20  }
0x66: {  	s24 =	sadd.s32 $0x4, s24;
	v0 =	vld [tilespmem:s20+$0x30];
	[tilespmem:s21+$0x1830 ss:$0x81] =	vst.msk $0xffff, v7  }
.Ltmp4:
0x67: {  	_ = 	snop;
	(pc) =	sbr.rel .LBB1_4-.Ltmp4, $1  }
0x68: {  	_ =	sdelay $0x3  }
.LBB1_6:
0x69: {  	_ =	sfence.sel $0x180000  }
0x6a: {  	s2 =	simm.s32 $0x1;
	[bflag:$0x0] =	sbarrier.arrive $0xFFFF  }
0x6b: {  	s31 =	simm.s32 $0x2;
	[sflag:s2] =	ssyncpa.u1 $0x1  }
0x6c: {  	[sflag:s31] =	ssyncpa.u1 $0x1  }
0x6d: {  	p0 =	sne.s32 s0, $0x0;
	_ =	strace $0x9000004A  }
0x6e: {  	s0 =	sadd.s32 @!p0 $0x100000, s1;
	[bflag:$0x2] =	sbarrier.arrive $0xFFFF  }
0x6f: {  	[sflag:s0] =	ssyncadd.tile.s32 @!p0 $0x1;
	_ =	shalt  }
.Lfunc_end1:
_tile_overlayer_lowered:
.L_overlay_start_2:
0x70: {  	(tag) =	ssettag $0x2  }
0x71: {  	s0 =	rddreg [dreg:$0x0];
	s2 =	stileid.u32  }
0x72: {  	s1 =	rddreg [dreg:$0x1];
	p0 =	sne.s32 s2, $0x0  }
0x73: {  	s3 =	rddreg [dreg:$0x2];
	[bflag:$0x3] =	sbarrier.arrive $0xFFFF;
	s2 =	simm.s32 @!p0 $0x1C01  }
0x74: {  	[timem:s3], [sflag:s2] =	dma.local @!p0 [hbm:s0], s1  }
0x75: {  	s0 =	simm.s32 @!p0 $0x1  }
0x76: {  	_ =	swait.ge @!p0 [sflag:s0], s1  }
0x77: {  	s1 =	ssub.s32 @!p0 $0x0, s1;
	[sflag:s0] =	ssyncset.done @!p0 $0x0  }
0x78: {  	[sflag:s0] =	ssyncadd.s32 @!p0 s1  }
0x79: {  	[bflag:$0x3] =	sbarrier.arrive $0xFFFF  }
0x7a: {  	_ =	shalt  }

</sc_bundles>
